<compile_context>
chip_gen: v7x
topology: tpu7x:2x2x1
jax: 0.10.2.dev20260603
libtpu: 0.0.44.dev20260713+nightly
codegen_flags: <defaults>
</compile_context>

<pallas_src>
import functools

import jax
import jax.numpy as jnp
from jax import lax
from jax.experimental import pallas as pl
from jax.experimental.pallas import tpu as pltpu
from jax.experimental.pallas import tpu_sc as plsc

_C = 128
_NBUF = 2
_D = 128
_V = 64


def _sc_body(x1_hbm, x2_hbm, table_hbm, out_hbm,
             table_v, idx_v, x2_v, out_v, sem_in, sem_out, *, R):
    nch = R // _C
    wid = lax.axis_index("s") * 2 + lax.axis_index("c")
    base = wid * R

    pltpu.sync_copy(table_hbm, table_v)

    def in_copy(g, b):
        row = (base + g * _C) // _C
        c_idx = pltpu.make_async_copy(x1_hbm.at[row], idx_v.at[b], sem_in.at[b])
        c_x2 = pltpu.make_async_copy(
            x2_hbm.at[pl.ds(base + g * _C, _C)], x2_v.at[b], sem_in.at[b])
        return c_idx, c_x2

    def out_copy(g, b):
        return pltpu.make_async_copy(
            out_v.at[b], out_hbm.at[pl.ds(base + g * _C, _C)], sem_out.at[b])

    for b in range(_NBUF):
        c_idx, c_x2 = in_copy(b, b)
        c_idx.start()
        c_x2.start()

    col = [lax.iota(jnp.int32, 16) + 16 * j for j in range(_D // 16)]

    def chunk_body(g2, carry):
        for b in range(_NBUF):
            g = g2 * _NBUF + b
            c_idx, c_x2 = in_copy(g, b)
            c_idx.wait()
            c_x2.wait()

            @pl.when(g2 > 0)
            def _wait_out():
                out_copy(g, b).wait()

            @plsc.parallel_loop(0, _C, unroll=8)
            def _rows(r):
                splat_r = jnp.full((16,), r, jnp.int32)
                iv = plsc.load_gather(idx_v.at[b], [splat_r])
                for j in range(_D // 16):
                    emb = plsc.load_gather(table_v, [iv, col[j]])
                    sl = pl.ds(j * 16, 16)
                    out_v[b, r, sl] = emb * x2_v[b, r, sl]

            out_copy(g, b).start()

            @pl.when(g + _NBUF < nch)
            def _start_in():
                c2_idx, c2_x2 = in_copy(g + _NBUF, b)
                c2_idx.start()
                c2_x2.start()
        return carry

    lax.fori_loop(0, nch // _NBUF, chunk_body, 0)

    for b in range(_NBUF):
        out_copy(nch - _NBUF + b, b).wait()


def kernel(x1, x2, table):
    B, L = x1.shape
    D = x2.shape[-1]
    N = B * L
    NW = 32
    R = N // NW

    x1f = x1.reshape(N // _C, _C).astype(jnp.int32)
    x2f = x2.reshape(N, D)

    mesh = plsc.VectorSubcoreMesh(core_axis_name="c", subcore_axis_name="s")
    run = functools.partial(
        pl.kernel,
        mesh=mesh,
        compiler_params=pltpu.CompilerParams(needs_layout_passes=False),
        out_type=jax.ShapeDtypeStruct((N, D), jnp.float32),
        scratch_types=[
            pltpu.VMEM((_V, _D), jnp.float32),
            pltpu.VMEM((_NBUF, _C), jnp.int32),
            pltpu.VMEM((_NBUF, _C, _D), jnp.float32),
            pltpu.VMEM((_NBUF, _C, _D), jnp.float32),
            pltpu.SemaphoreType.DMA((_NBUF,)),
            pltpu.SemaphoreType.DMA((_NBUF,)),
        ],
    )(functools.partial(_sc_body, R=R))
    out = run(x1f, x2f, table)
    return out.reshape(B, L, D)

# --- scband reference (transcript-rebuilt; emitter-appended) ---
"""Pipeline reference for scband-model-11879879542847 (READ-ONLY COPY).

The authoritative reference and input builder live on the scoring server;
editing this copy changes nothing except your own understanding.
"""

import jax, jax.numpy as jnp
import numpy as np


def setup_inputs(seed: int = 0) -> dict:
    key = jax.random.key(seed)
    k1, k2, k3 = jax.random.split(key, 3)
    x1 = jax.random.randint(k1, (4096, 200), 0, 64, dtype=jnp.int64)
    x2 = jax.random.normal(k2, (4096, 200, 128), dtype=jnp.float32)
    table = jax.random.normal(k3, (64, 128), dtype=jnp.float32) * 0.05
    return {"x1": x1, "x2": x2, "table": table}


def reference(x1, x2, table):
    # Embedding lookup (gather) followed by elementwise multiply, as in the
    # original Keras model: self.embedding(x1) * x2
    emb = jnp.take(table, x1, axis=0)  # [B, L, 128]
    return emb * x2

if __name__ == "__main__":
    import jax
    _d = setup_inputs()
    print(jax.jit(kernel)(*tuple(_d.values())))

</pallas_src>

<mosaic_0001>
#map = affine_map<(d0, d1) -> (0, 0)>
module attributes {stable_mosaic.version = 14 : i64} {
  func.func @_sc_body(%arg0: i32, %arg1: i32, %arg2: memref<6400x128xi32, #tpu.memory_space<hbm>>, %arg3: memref<819200x128xf32, #tpu.memory_space<hbm>>, %arg4: memref<64x128xf32, #tpu.memory_space<hbm>>, %arg5: memref<819200x128xf32, #tpu.memory_space<hbm>>, %arg6: memref<64x128xf32, #tpu.memory_space<vmem>>, %arg7: memref<2x128xi32, #tpu.memory_space<vmem>>, %arg8: memref<2x128x128xf32, #tpu.memory_space<vmem>>, %arg9: memref<2x128x128xf32, #tpu.memory_space<vmem>>, %arg10: memref<2x!tpu.dma_semaphore, #tpu.memory_space<semaphore_mem>>, %arg11: memref<2x!tpu.dma_semaphore, #tpu.memory_space<semaphore_mem>>) attributes {dimension_semantics = [#tpu.dimension_semantics<core_parallel>, #tpu.dimension_semantics<subcore_parallel>], iteration_bounds = array<i64: 2, 16>, scalar_prefetch = 0 : i64, scratch_operands = 6 : i64, tpu.core_type = #tpu.core_type<sc_vector_subcore>, window_params = [{transform_indices = #map}, {transform_indices = #map}, {transform_indices = #map}, {transform_indices = #map}]} {
    %mul3A = arith.constant 2 : i32
    %mul3A_0 = arith.muli %arg1, %mul3A : i32
    %add3A = arith.addi %mul3A_0, %arg0 : i32
    %mul3A_1 = arith.constant 25600 : i32
    %mul3A_2 = arith.muli %add3A, %mul3A_1 : i32
    "tpu.region"() ({
      %run_scoped3A = tpu.sem_alloc : memref<!tpu.dma_semaphore, #tpu.memory_space<semaphore_mem>>
      tpu.enqueue_dma source(%arg4 : memref<64x128xf32, #tpu.memory_space<hbm>>) target(%arg6 : memref<64x128xf32, #tpu.memory_space<vmem>>) target_semaphore(%run_scoped3A : memref<!tpu.dma_semaphore, #tpu.memory_space<semaphore_mem>>)
      tpu.wait_dma2 semaphore(%run_scoped3A : memref<!tpu.dma_semaphore, #tpu.memory_space<semaphore_mem>>) src(%arg4 : memref<64x128xf32, #tpu.memory_space<hbm>>) dst(%arg6 : memref<64x128xf32, #tpu.memory_space<vmem>>)
      tpu.yield
    }) : () -> ()
    %add3A_3 = arith.constant 0 : i32
    %add3A_4 = arith.addi %mul3A_2, %add3A_3 : i32
    %jit3A = arith.constant 128 : i32
    %div3A = arith.divsi %add3A_4, %jit3A : i32
    %sign3A = arith.constant 0 : i32
    %sign3A_5 = arith.cmpi sgt, %add3A_4, %sign3A : i32
    %sign3A_6 = arith.extui %sign3A_5 : i1 to i32
    %sign3A_7 = arith.constant 0 : i32
    %sign3A_8 = arith.cmpi slt, %add3A_4, %sign3A_7 : i32
    %sign3A_9 = arith.extui %sign3A_8 : i1 to i32
    %sign3A_10 = arith.subi %sign3A_6, %sign3A_9 : i32
    %sign3A_11 = arith.constant 0 : i32
    %sign3A_12 = arith.cmpi sgt, %jit3A, %sign3A_11 : i32
    %sign3A_13 = arith.extui %sign3A_12 : i1 to i32
    %sign3A_14 = arith.constant 0 : i32
    %sign3A_15 = arith.cmpi slt, %jit3A, %sign3A_14 : i32
    %sign3A_16 = arith.extui %sign3A_15 : i1 to i32
    %sign3A_17 = arith.subi %sign3A_13, %sign3A_16 : i32
    %ne3A = arith.cmpi ne, %sign3A_10, %sign3A_17 : i32
    %rem3A = arith.remsi %add3A_4, %jit3A : i32
    %ne3A_18 = arith.constant 0 : i32
    %ne3A_19 = arith.cmpi ne, %rem3A, %ne3A_18 : i32
    %and3A = arith.andi %ne3A, %ne3A_19 : i1
    %sub3A = arith.constant 1 : i32
    %sub3A_20 = arith.subi %div3A, %sub3A : i32
    %select_n3A = arith.select %and3A, %sub3A_20, %div3A : i32
    %add3A_21 = arith.constant 0 : i32
    %add3A_22 = arith.addi %mul3A_2, %add3A_21 : i32
    %dma_start3A = arith.constant 0 : i32
    %dma_start3A_23 = arith.constant 0 : i32
    %dma_start3A_24 = arith.constant 0 : i32
    %dma_start3A_25 = tpu.memref_slice %arg7[%dma_start3A, %dma_start3A_24] : memref<2x128xi32, #tpu.memory_space<vmem>> -> memref<1x128xi32, #tpu.memory_space<vmem>>
    %dma_start3A_26 = tpu.memref_squeeze %dma_start3A_25 : memref<1x128xi32, #tpu.memory_space<vmem>> -> memref<128xi32, #tpu.memory_space<vmem>>
    %dma_start3A_27 = arith.constant 0 : i32
    %dma_start3A_28 = tpu.memref_slice %arg2[%select_n3A, %dma_start3A_27] : memref<6400x128xi32, #tpu.memory_space<hbm>> -> memref<1x128xi32, #tpu.memory_space<hbm>>
    %dma_start3A_29 = tpu.memref_squeeze %dma_start3A_28 : memref<1x128xi32, #tpu.memory_space<hbm>> -> memref<128xi32, #tpu.memory_space<hbm>>
    %dma_start3A_30 = tpu.memref_slice %arg10[%dma_start3A_23] : memref<2x!tpu.dma_semaphore, #tpu.memory_space<semaphore_mem>> -> memref<1x!tpu.dma_semaphore, #tpu.memory_space<semaphore_mem>>
    %dma_start3A_31 = tpu.memref_squeeze %dma_start3A_30 : memref<1x!tpu.dma_semaphore, #tpu.memory_space<semaphore_mem>> -> memref<!tpu.dma_semaphore, #tpu.memory_space<semaphore_mem>>
    %dma_start3A_32 = arith.constant 0 : i32
    %dma_start3A_33 = tpu.memref_slice %arg7[%dma_start3A, %dma_start3A_32] : memref<2x128xi32, #tpu.memory_space<vmem>> -> memref<1x128xi32, #tpu.memory_space<vmem>>
    %dma_start3A_34 = tpu.memref_squeeze %dma_start3A_33 : memref<1x128xi32, #tpu.memory_space<vmem>> -> memref<128xi32, #tpu.memory_space<vmem>>
    %dma_start3A_35 = arith.constant 0 : i32
    %dma_start3A_36 = tpu.memref_slice %arg2[%select_n3A, %dma_start3A_35] : memref<6400x128xi32, #tpu.memory_space<hbm>> -> memref<1x128xi32, #tpu.memory_space<hbm>>
    %dma_start3A_37 = tpu.memref_squeeze %dma_start3A_36 : memref<1x128xi32, #tpu.memory_space<hbm>> -> memref<128xi32, #tpu.memory_space<hbm>>
    tpu.enqueue_dma source(%dma_start3A_37 : memref<128xi32, #tpu.memory_space<hbm>>) target(%dma_start3A_34 : memref<128xi32, #tpu.memory_space<vmem>>) target_semaphore(%dma_start3A_31 : memref<!tpu.dma_semaphore, #tpu.memory_space<semaphore_mem>>)
    %dma_start3A_38 = arith.constant 0 : i32
    %dma_start3A_39 = arith.constant 0 : i32
    %dma_start3A_40 = arith.constant 0 : i32
    %dma_start3A_41 = arith.constant 0 : i32
    %dma_start3A_42 = tpu.memref_slice %arg8[%dma_start3A_38, %dma_start3A_40, %dma_start3A_41] : memref<2x128x128xf32, #tpu.memory_space<vmem>> -> memref<1x128x128xf32, #tpu.memory_space<vmem>>
    %dma_start3A_43 = tpu.memref_squeeze %dma_start3A_42 : memref<1x128x128xf32, #tpu.memory_space<vmem>> -> memref<128x128xf32, #tpu.memory_space<vmem>>
    %dma_start3A_44 = arith.constant 0 : i32
    %dma_start3A_45 = tpu.memref_slice %arg3[%add3A_22, %dma_start3A_44] : memref<819200x128xf32, #tpu.memory_space<hbm>> -> memref<128x128xf32, #tpu.memory_space<hbm>>
    %dma_start3A_46 = tpu.memref_slice %arg10[%dma_start3A_39] : memref<2x!tpu.dma_semaphore, #tpu.memory_space<semaphore_mem>> -> memref<1x!tpu.dma_semaphore, #tpu.memory_space<semaphore_mem>>
    %dma_start3A_47 = tpu.memref_squeeze %dma_start3A_46 : memref<1x!tpu.dma_semaphore, #tpu.memory_space<semaphore_mem>> -> memref<!tpu.dma_semaphore, #tpu.memory_space<semaphore_mem>>
    %dma_start3A_48 = arith.constant 0 : i32
    %dma_start3A_49 = arith.constant 0 : i32
    %dma_start3A_50 = tpu.memref_slice %arg8[%dma_start3A_38, %dma_start3A_48, %dma_start3A_49] : memref<2x128x128xf32, #tpu.memory_space<vmem>> -> memref<1x128x128xf32, #tpu.memory_space<vmem>>
    %dma_start3A_51 = tpu.memref_squeeze %dma_start3A_50 : memref<1x128x128xf32, #tpu.memory_space<vmem>> -> memref<128x128xf32, #tpu.memory_space<vmem>>
    %dma_start3A_52 = arith.constant 0 : i32
    %dma_start3A_53 = tpu.memref_slice %arg3[%add3A_22, %dma_start3A_52] : memref<819200x128xf32, #tpu.memory_space<hbm>> -> memref<128x128xf32, #tpu.memory_space<hbm>>
    tpu.enqueue_dma source(%dma_start3A_53 : memref<128x128xf32, #tpu.memory_space<hbm>>) target(%dma_start3A_51 : memref<128x128xf32, #tpu.memory_space<vmem>>) target_semaphore(%dma_start3A_47 : memref<!tpu.dma_semaphore, #tpu.memory_space<semaphore_mem>>)
    %add3A_54 = arith.constant 128 : i32
    %add3A_55 = arith.addi %mul3A_2, %add3A_54 : i32
    %jit3A_56 = arith.constant 128 : i32
    %div3A_57 = arith.divsi %add3A_55, %jit3A_56 : i32
    %sign3A_58 = arith.constant 0 : i32
    %sign3A_59 = arith.cmpi sgt, %add3A_55, %sign3A_58 : i32
    %sign3A_60 = arith.extui %sign3A_59 : i1 to i32
    %sign3A_61 = arith.constant 0 : i32
    %sign3A_62 = arith.cmpi slt, %add3A_55, %sign3A_61 : i32
    %sign3A_63 = arith.extui %sign3A_62 : i1 to i32
    %sign3A_64 = arith.subi %sign3A_60, %sign3A_63 : i32
    %sign3A_65 = arith.constant 0 : i32
    %sign3A_66 = arith.cmpi sgt, %jit3A_56, %sign3A_65 : i32
    %sign3A_67 = arith.extui %sign3A_66 : i1 to i32
    %sign3A_68 = arith.constant 0 : i32
    %sign3A_69 = arith.cmpi slt, %jit3A_56, %sign3A_68 : i32
    %sign3A_70 = arith.extui %sign3A_69 : i1 to i32
    %sign3A_71 = arith.subi %sign3A_67, %sign3A_70 : i32
    %ne3A_72 = arith.cmpi ne, %sign3A_64, %sign3A_71 : i32
    %rem3A_73 = arith.remsi %add3A_55, %jit3A_56 : i32
    %ne3A_74 = arith.constant 0 : i32
    %ne3A_75 = arith.cmpi ne, %rem3A_73, %ne3A_74 : i32
    %and3A_76 = arith.andi %ne3A_72, %ne3A_75 : i1
    %sub3A_77 = arith.constant 1 : i32
    %sub3A_78 = arith.subi %div3A_57, %sub3A_77 : i32
    %select_n3A_79 = arith.select %and3A_76, %sub3A_78, %div3A_57 : i32
    %add3A_80 = arith.constant 128 : i32
    %add3A_81 = arith.addi %mul3A_2, %add3A_80 : i32
    %dma_start3A_82 = arith.constant 1 : i32
    %dma_start3A_83 = arith.constant 1 : i32
    %dma_start3A_84 = arith.constant 0 : i32
    %dma_start3A_85 = tpu.memref_slice %arg7[%dma_start3A_82, %dma_start3A_84] : memref<2x128xi32, #tpu.memory_space<vmem>> -> memref<1x128xi32, #tpu.memory_space<vmem>>
    %dma_start3A_86 = tpu.memref_squeeze %dma_start3A_85 : memref<1x128xi32, #tpu.memory_space<vmem>> -> memref<128xi32, #tpu.memory_space<vmem>>
    %dma_start3A_87 = arith.constant 0 : i32
    %dma_start3A_88 = tpu.memref_slice %arg2[%select_n3A_79, %dma_start3A_87] : memref<6400x128xi32, #tpu.memory_space<hbm>> -> memref<1x128xi32, #tpu.memory_space<hbm>>
    %dma_start3A_89 = tpu.memref_squeeze %dma_start3A_88 : memref<1x128xi32, #tpu.memory_space<hbm>> -> memref<128xi32, #tpu.memory_space<hbm>>
    %dma_start3A_90 = tpu.memref_slice %arg10[%dma_start3A_83] : memref<2x!tpu.dma_semaphore, #tpu.memory_space<semaphore_mem>> -> memref<1x!tpu.dma_semaphore, #tpu.memory_space<semaphore_mem>>
    %dma_start3A_91 = tpu.memref_squeeze %dma_start3A_90 : memref<1x!tpu.dma_semaphore, #tpu.memory_space<semaphore_mem>> -> memref<!tpu.dma_semaphore, #tpu.memory_space<semaphore_mem>>
    %dma_start3A_92 = arith.constant 0 : i32
    %dma_start3A_93 = tpu.memref_slice %arg7[%dma_start3A_82, %dma_start3A_92] : memref<2x128xi32, #tpu.memory_space<vmem>> -> memref<1x128xi32, #tpu.memory_space<vmem>>
    %dma_start3A_94 = tpu.memref_squeeze %dma_start3A_93 : memref<1x128xi32, #tpu.memory_space<vmem>> -> memref<128xi32, #tpu.memory_space<vmem>>
    %dma_start3A_95 = arith.constant 0 : i32
    %dma_start3A_96 = tpu.memref_slice %arg2[%select_n3A_79, %dma_start3A_95] : memref<6400x128xi32, #tpu.memory_space<hbm>> -> memref<1x128xi32, #tpu.memory_space<hbm>>
    %dma_start3A_97 = tpu.memref_squeeze %dma_start3A_96 : memref<1x128xi32, #tpu.memory_space<hbm>> -> memref<128xi32, #tpu.memory_space<hbm>>
    tpu.enqueue_dma source(%dma_start3A_97 : memref<128xi32, #tpu.memory_space<hbm>>) target(%dma_start3A_94 : memref<128xi32, #tpu.memory_space<vmem>>) target_semaphore(%dma_start3A_91 : memref<!tpu.dma_semaphore, #tpu.memory_space<semaphore_mem>>)
    %dma_start3A_98 = arith.constant 1 : i32
    %dma_start3A_99 = arith.constant 1 : i32
    %dma_start3A_100 = arith.constant 0 : i32
    %dma_start3A_101 = arith.constant 0 : i32
    %dma_start3A_102 = tpu.memref_slice %arg8[%dma_start3A_98, %dma_start3A_100, %dma_start3A_101] : memref<2x128x128xf32, #tpu.memory_space<vmem>> -> memref<1x128x128xf32, #tpu.memory_space<vmem>>
    %dma_start3A_103 = tpu.memref_squeeze %dma_start3A_102 : memref<1x128x128xf32, #tpu.memory_space<vmem>> -> memref<128x128xf32, #tpu.memory_space<vmem>>
    %dma_start3A_104 = arith.constant 0 : i32
    %dma_start3A_105 = tpu.memref_slice %arg3[%add3A_81, %dma_start3A_104] : memref<819200x128xf32, #tpu.memory_space<hbm>> -> memref<128x128xf32, #tpu.memory_space<hbm>>
    %dma_start3A_106 = tpu.memref_slice %arg10[%dma_start3A_99] : memref<2x!tpu.dma_semaphore, #tpu.memory_space<semaphore_mem>> -> memref<1x!tpu.dma_semaphore, #tpu.memory_space<semaphore_mem>>
    %dma_start3A_107 = tpu.memref_squeeze %dma_start3A_106 : memref<1x!tpu.dma_semaphore, #tpu.memory_space<semaphore_mem>> -> memref<!tpu.dma_semaphore, #tpu.memory_space<semaphore_mem>>
    %dma_start3A_108 = arith.constant 0 : i32
    %dma_start3A_109 = arith.constant 0 : i32
    %dma_start3A_110 = tpu.memref_slice %arg8[%dma_start3A_98, %dma_start3A_108, %dma_start3A_109] : memref<2x128x128xf32, #tpu.memory_space<vmem>> -> memref<1x128x128xf32, #tpu.memory_space<vmem>>
    %dma_start3A_111 = tpu.memref_squeeze %dma_start3A_110 : memref<1x128x128xf32, #tpu.memory_space<vmem>> -> memref<128x128xf32, #tpu.memory_space<vmem>>
    %dma_start3A_112 = arith.constant 0 : i32
    %dma_start3A_113 = tpu.memref_slice %arg3[%add3A_81, %dma_start3A_112] : memref<819200x128xf32, #tpu.memory_space<hbm>> -> memref<128x128xf32, #tpu.memory_space<hbm>>
    tpu.enqueue_dma source(%dma_start3A_113 : memref<128x128xf32, #tpu.memory_space<hbm>>) target(%dma_start3A_111 : memref<128x128xf32, #tpu.memory_space<vmem>>) target_semaphore(%dma_start3A_107 : memref<!tpu.dma_semaphore, #tpu.memory_space<semaphore_mem>>)
    %iota3A = tpu.iota {dimensions = array<i32: 0>} : vector<16xi32>
    %add3A_114 = arith.constant 0 : i32
    %add3A_115 = vector.broadcast %add3A_114 : i32 to vector<16xi32>
    %add3A_116 = arith.addi %iota3A, %add3A_115 : vector<16xi32>
    %iota3A_117 = tpu.iota {dimensions = array<i32: 0>} : vector<16xi32>
    %add3A_118 = arith.constant 16 : i32
    %add3A_119 = vector.broadcast %add3A_118 : i32 to vector<16xi32>
    %add3A_120 = arith.addi %iota3A_117, %add3A_119 : vector<16xi32>
    %iota3A_121 = tpu.iota {dimensions = array<i32: 0>} : vector<16xi32>
    %add3A_122 = arith.constant 32 : i32
    %add3A_123 = vector.broadcast %add3A_122 : i32 to vector<16xi32>
    %add3A_124 = arith.addi %iota3A_121, %add3A_123 : vector<16xi32>
    %iota3A_125 = tpu.iota {dimensions = array<i32: 0>} : vector<16xi32>
    %add3A_126 = arith.constant 48 : i32
    %add3A_127 = vector.broadcast %add3A_126 : i32 to vector<16xi32>
    %add3A_128 = arith.addi %iota3A_125, %add3A_127 : vector<16xi32>
    %iota3A_129 = tpu.iota {dimensions = array<i32: 0>} : vector<16xi32>
    %add3A_130 = arith.constant 64 : i32
    %add3A_131 = vector.broadcast %add3A_130 : i32 to vector<16xi32>
    %add3A_132 = arith.addi %iota3A_129, %add3A_131 : vector<16xi32>
    %iota3A_133 = tpu.iota {dimensions = array<i32: 0>} : vector<16xi32>
    %add3A_134 = arith.constant 80 : i32
    %add3A_135 = vector.broadcast %add3A_134 : i32 to vector<16xi32>
    %add3A_136 = arith.addi %iota3A_133, %add3A_135 : vector<16xi32>
    %iota3A_137 = tpu.iota {dimensions = array<i32: 0>} : vector<16xi32>
    %add3A_138 = arith.constant 96 : i32
    %add3A_139 = vector.broadcast %add3A_138 : i32 to vector<16xi32>
    %add3A_140 = arith.addi %iota3A_137, %add3A_139 : vector<16xi32>
    %iota3A_141 = tpu.iota {dimensions = array<i32: 0>} : vector<16xi32>
    %add3A_142 = arith.constant 112 : i32
    %add3A_143 = vector.broadcast %add3A_142 : i32 to vector<16xi32>
    %add3A_144 = arith.addi %iota3A_141, %add3A_143 : vector<16xi32>
    %scan3A = arith.constant 0 : i32
    %scan3A_145 = arith.constant 0 : i32
    %scan3A_146 = arith.constant 100 : i32
    %scan3A_147 = arith.addi %scan3A_145, %scan3A_146 : i32
    %scan3A_148 = arith.constant 1 : i32
    scf.for %scan3A_185 = %scan3A_145 to %scan3A_147 step %scan3A_148  : i32 {
      %mul3A_186 = arith.constant 2 : i32
      %mul3A_187 = arith.muli %scan3A_185, %mul3A_186 : i32
      %add3A_188 = arith.constant 0 : i32
      %add3A_189 = arith.addi %mul3A_187, %add3A_188 : i32
      %mul3A_190 = arith.constant 128 : i32
      %mul3A_191 = arith.muli %add3A_189, %mul3A_190 : i32
      %add3A_192 = arith.addi %mul3A_2, %mul3A_191 : i32
      %jit3A_193 = arith.constant 128 : i32
      %div3A_194 = arith.divsi %add3A_192, %jit3A_193 : i32
      %sign3A_195 = arith.constant 0 : i32
      %sign3A_196 = arith.cmpi sgt, %add3A_192, %sign3A_195 : i32
      %sign3A_197 = arith.extui %sign3A_196 : i1 to i32
      %sign3A_198 = arith.constant 0 : i32
      %sign3A_199 = arith.cmpi slt, %add3A_192, %sign3A_198 : i32
      %sign3A_200 = arith.extui %sign3A_199 : i1 to i32
      %sign3A_201 = arith.subi %sign3A_197, %sign3A_200 : i32
      %sign3A_202 = arith.constant 0 : i32
      %sign3A_203 = arith.cmpi sgt, %jit3A_193, %sign3A_202 : i32
      %sign3A_204 = arith.extui %sign3A_203 : i1 to i32
      %sign3A_205 = arith.constant 0 : i32
      %sign3A_206 = arith.cmpi slt, %jit3A_193, %sign3A_205 : i32
      %sign3A_207 = arith.extui %sign3A_206 : i1 to i32
      %sign3A_208 = arith.subi %sign3A_204, %sign3A_207 : i32
      %ne3A_209 = arith.cmpi ne, %sign3A_201, %sign3A_208 : i32
      %rem3A_210 = arith.remsi %add3A_192, %jit3A_193 : i32
      %ne3A_211 = arith.constant 0 : i32
      %ne3A_212 = arith.cmpi ne, %rem3A_210, %ne3A_211 : i32
      %and3A_213 = arith.andi %ne3A_209, %ne3A_212 : i1
      %sub3A_214 = arith.constant 1 : i32
      %sub3A_215 = arith.subi %div3A_194, %sub3A_214 : i32
      %select_n3A_216 = arith.select %and3A_213, %sub3A_215, %div3A_194 : i32
      %mul3A_217 = arith.constant 128 : i32
      %mul3A_218 = arith.muli %add3A_189, %mul3A_217 : i32
      %add3A_219 = arith.addi %mul3A_2, %mul3A_218 : i32
      %dma_wait3A_220 = arith.constant 0 : i32
      %dma_wait3A_221 = arith.constant 0 : i32
      %dma_wait3A_222 = arith.constant 0 : i32
      %dma_wait3A_223 = tpu.memref_slice %arg7[%dma_wait3A_220, %dma_wait3A_222] : memref<2x128xi32, #tpu.memory_space<vmem>> -> memref<1x128xi32, #tpu.memory_space<vmem>>
      %dma_wait3A_224 = tpu.memref_squeeze %dma_wait3A_223 : memref<1x128xi32, #tpu.memory_space<vmem>> -> memref<128xi32, #tpu.memory_space<vmem>>
      %dma_wait3A_225 = arith.constant 0 : i32
      %dma_wait3A_226 = tpu.memref_slice %arg2[%select_n3A_216, %dma_wait3A_225] : memref<6400x128xi32, #tpu.memory_space<hbm>> -> memref<1x128xi32, #tpu.memory_space<hbm>>
      %dma_wait3A_227 = tpu.memref_squeeze %dma_wait3A_226 : memref<1x128xi32, #tpu.memory_space<hbm>> -> memref<128xi32, #tpu.memory_space<hbm>>
      %dma_wait3A_228 = tpu.memref_slice %arg10[%dma_wait3A_221] : memref<2x!tpu.dma_semaphore, #tpu.memory_space<semaphore_mem>> -> memref<1x!tpu.dma_semaphore, #tpu.memory_space<semaphore_mem>>
      %dma_wait3A_229 = tpu.memref_squeeze %dma_wait3A_228 : memref<1x!tpu.dma_semaphore, #tpu.memory_space<semaphore_mem>> -> memref<!tpu.dma_semaphore, #tpu.memory_space<semaphore_mem>>
      %dma_wait3A_230 = arith.constant 0 : i32
      %dma_wait3A_231 = tpu.memref_slice %arg7[%dma_wait3A_220, %dma_wait3A_230] : memref<2x128xi32, #tpu.memory_space<vmem>> -> memref<1x128xi32, #tpu.memory_space<vmem>>
      %dma_wait3A_232 = tpu.memref_squeeze %dma_wait3A_231 : memref<1x128xi32, #tpu.memory_space<vmem>> -> memref<128xi32, #tpu.memory_space<vmem>>
      %dma_wait3A_233 = arith.constant 0 : i32
      %dma_wait3A_234 = tpu.memref_slice %arg2[%select_n3A_216, %dma_wait3A_233] : memref<6400x128xi32, #tpu.memory_space<hbm>> -> memref<1x128xi32, #tpu.memory_space<hbm>>
      %dma_wait3A_235 = tpu.memref_squeeze %dma_wait3A_234 : memref<1x128xi32, #tpu.memory_space<hbm>> -> memref<128xi32, #tpu.memory_space<hbm>>
      tpu.wait_dma2 semaphore(%dma_wait3A_229 : memref<!tpu.dma_semaphore, #tpu.memory_space<semaphore_mem>>) src(%dma_wait3A_235 : memref<128xi32, #tpu.memory_space<hbm>>) dst(%dma_wait3A_232 : memref<128xi32, #tpu.memory_space<vmem>>)
      %dma_wait3A_236 = arith.constant 0 : i32
      %dma_wait3A_237 = arith.constant 0 : i32
      %dma_wait3A_238 = arith.constant 0 : i32
      %dma_wait3A_239 = arith.constant 0 : i32
      %dma_wait3A_240 = tpu.memref_slice %arg8[%dma_wait3A_236, %dma_wait3A_238, %dma_wait3A_239] : memref<2x128x128xf32, #tpu.memory_space<vmem>> -> memref<1x128x128xf32, #tpu.memory_space<vmem>>
      %dma_wait3A_241 = tpu.memref_squeeze %dma_wait3A_240 : memref<1x128x128xf32, #tpu.memory_space<vmem>> -> memref<128x128xf32, #tpu.memory_space<vmem>>
      %dma_wait3A_242 = arith.constant 0 : i32
      %dma_wait3A_243 = tpu.memref_slice %arg3[%add3A_219, %dma_wait3A_242] : memref<819200x128xf32, #tpu.memory_space<hbm>> -> memref<128x128xf32, #tpu.memory_space<hbm>>
      %dma_wait3A_244 = tpu.memref_slice %arg10[%dma_wait3A_237] : memref<2x!tpu.dma_semaphore, #tpu.memory_space<semaphore_mem>> -> memref<1x!tpu.dma_semaphore, #tpu.memory_space<semaphore_mem>>
      %dma_wait3A_245 = tpu.memref_squeeze %dma_wait3A_244 : memref<1x!tpu.dma_semaphore, #tpu.memory_space<semaphore_mem>> -> memref<!tpu.dma_semaphore, #tpu.memory_space<semaphore_mem>>
      %dma_wait3A_246 = arith.constant 0 : i32
      %dma_wait3A_247 = arith.constant 0 : i32
      %dma_wait3A_248 = tpu.memref_slice %arg8[%dma_wait3A_236, %dma_wait3A_246, %dma_wait3A_247] : memref<2x128x128xf32, #tpu.memory_space<vmem>> -> memref<1x128x128xf32, #tpu.memory_space<vmem>>
      %dma_wait3A_249 = tpu.memref_squeeze %dma_wait3A_248 : memref<1x128x128xf32, #tpu.memory_space<vmem>> -> memref<128x128xf32, #tpu.memory_space<vmem>>
      %dma_wait3A_250 = arith.constant 0 : i32
      %dma_wait3A_251 = tpu.memref_slice %arg3[%add3A_219, %dma_wait3A_250] : memref<819200x128xf32, #tpu.memory_space<hbm>> -> memref<128x128xf32, #tpu.memory_space<hbm>>
      tpu.wait_dma2 semaphore(%dma_wait3A_245 : memref<!tpu.dma_semaphore, #tpu.memory_space<semaphore_mem>>) src(%dma_wait3A_251 : memref<128x128xf32, #tpu.memory_space<hbm>>) dst(%dma_wait3A_249 : memref<128x128xf32, #tpu.memory_space<vmem>>)
      %gt3A = arith.constant 0 : i32
      %gt3A_252 = arith.cmpi sgt, %scan3A_185, %gt3A : i32
      %convert_element_type3A = arith.extui %gt3A_252 : i1 to i32
      %cond3A = arith.constant 0 : i32
      %cond3A_253 = arith.cmpi ne, %convert_element_type3A, %cond3A : i32
      scf.if %cond3A_253 {
        %mul3A_381 = arith.constant 128 : i32
        %mul3A_382 = arith.muli %add3A_189, %mul3A_381 : i32
        %add3A_383 = arith.addi %mul3A_2, %mul3A_382 : i32
        %dma_wait3A_384 = arith.constant 0 : i32
        %dma_wait3A_385 = arith.constant 0 : i32
        %dma_wait3A_386 = arith.constant 0 : i32
        %dma_wait3A_387 = arith.constant 0 : i32
        %dma_wait3A_388 = tpu.memref_slice %arg9[%dma_wait3A_384, %dma_wait3A_386, %dma_wait3A_387] : memref<2x128x128xf32, #tpu.memory_space<vmem>> -> memref<1x128x128xf32, #tpu.memory_space<vmem>>
        %dma_wait3A_389 = tpu.memref_squeeze %dma_wait3A_388 : memref<1x128x128xf32, #tpu.memory_space<vmem>> -> memref<128x128xf32, #tpu.memory_space<vmem>>
        %dma_wait3A_390 = arith.constant 0 : i32
        %dma_wait3A_391 = tpu.memref_slice %arg5[%add3A_383, %dma_wait3A_390] : memref<819200x128xf32, #tpu.memory_space<hbm>> -> memref<128x128xf32, #tpu.memory_space<hbm>>
        %dma_wait3A_392 = tpu.memref_slice %arg11[%dma_wait3A_385] : memref<2x!tpu.dma_semaphore, #tpu.memory_space<semaphore_mem>> -> memref<1x!tpu.dma_semaphore, #tpu.memory_space<semaphore_mem>>
        %dma_wait3A_393 = tpu.memref_squeeze %dma_wait3A_392 : memref<1x!tpu.dma_semaphore, #tpu.memory_space<semaphore_mem>> -> memref<!tpu.dma_semaphore, #tpu.memory_space<semaphore_mem>>
        %dma_wait3A_394 = arith.constant 0 : i32
        %dma_wait3A_395 = tpu.memref_slice %arg5[%add3A_383, %dma_wait3A_394] : memref<819200x128xf32, #tpu.memory_space<hbm>> -> memref<128x128xf32, #tpu.memory_space<hbm>>
        %dma_wait3A_396 = arith.constant 0 : i32
        %dma_wait3A_397 = arith.constant 0 : i32
        %dma_wait3A_398 = tpu.memref_slice %arg9[%dma_wait3A_384, %dma_wait3A_396, %dma_wait3A_397] : memref<2x128x128xf32, #tpu.memory_space<vmem>> -> memref<1x128x128xf32, #tpu.memory_space<vmem>>
        %dma_wait3A_399 = tpu.memref_squeeze %dma_wait3A_398 : memref<1x128x128xf32, #tpu.memory_space<vmem>> -> memref<128x128xf32, #tpu.memory_space<vmem>>
        tpu.wait_dma2 semaphore(%dma_wait3A_393 : memref<!tpu.dma_semaphore, #tpu.memory_space<semaphore_mem>>) src(%dma_wait3A_399 : memref<128x128xf32, #tpu.memory_space<vmem>>) dst(%dma_wait3A_395 : memref<128x128xf32, #tpu.memory_space<hbm>>)
      } else {
      }
      %parallel_loop3A = arith.constant 0 : i32
      %parallel_loop3A_254 = arith.constant 128 : i32
      %parallel_loop3A_255 = arith.constant 1 : i32
      scf.for %parallel_loop3A_381 = %parallel_loop3A to %parallel_loop3A_254 step %parallel_loop3A_255  : i32 {
        %parallel_loop3A_382 = vector.broadcast %parallel_loop3A_381 : i32 to vector<16xi32>
        %parallel_loop3A_383 = arith.constant 0 : i32
        %parallel_loop3A_384 = arith.constant 0 : i32
        %parallel_loop3A_385 = tpu.memref_slice %arg7[%parallel_loop3A_383, %parallel_loop3A_384] : memref<2x128xi32, #tpu.memory_space<vmem>> -> memref<1x128xi32, #tpu.memory_space<vmem>>
        %parallel_loop3A_386 = tpu.memref_squeeze %parallel_loop3A_385 : memref<1x128xi32, #tpu.memory_space<vmem>> -> memref<128xi32, #tpu.memory_space<vmem>>
        %parallel_loop3A_387 = tpu.vector_load_idx %parallel_loop3A_386[%parallel_loop3A_382] : memref<128xi32, #tpu.memory_space<vmem>>[vector<16xi32>], vector<16xi32>,
        %parallel_loop3A_388 = tpu.vector_load_idx %arg6[%parallel_loop3A_387, %add3A_116] : memref<64x128xf32, #tpu.memory_space<vmem>>[vector<16xi32>, vector<16xi32>], vector<16xf32>,
        %parallel_loop3A_389 = arith.constant 0 : i32
        %parallel_loop3A_390 = arith.index_cast %parallel_loop3A_389 : i32 to index
        %parallel_loop3A_391 = arith.index_cast %parallel_loop3A_381 : i32 to index
        %parallel_loop3A_392 = arith.constant 0 : index
        %parallel_loop3A_393 = tpu.vector_load %arg8[%parallel_loop3A_390, %parallel_loop3A_391, %parallel_loop3A_392] {strides = array<i32>} : memref<2x128x128xf32, #tpu.memory_space<vmem>>, vector<16xf32>,
        %parallel_loop3A_394 = arith.mulf %parallel_loop3A_388, %parallel_loop3A_393 : vector<16xf32>
        %parallel_loop3A_395 = arith.constant 0 : i32
        %parallel_loop3A_396 = arith.index_cast %parallel_loop3A_395 : i32 to index
        %parallel_loop3A_397 = arith.index_cast %parallel_loop3A_381 : i32 to index
        %parallel_loop3A_398 = arith.constant 0 : index
        %parallel_loop3A_399 = tpu.vector_load %arg9[%parallel_loop3A_396, %parallel_loop3A_397, %parallel_loop3A_398] {strides = array<i32>} : memref<2x128x128xf32, #tpu.memory_space<vmem>>, vector<16xf32>,
        tpu.vector_store %arg9[%parallel_loop3A_396, %parallel_loop3A_397, %parallel_loop3A_398], %parallel_loop3A_394 {strides = array<i32>} : memref<2x128x128xf32, #tpu.memory_space<vmem>>, vector<16xf32>,
        %parallel_loop3A_400 = tpu.vector_load_idx %arg6[%parallel_loop3A_387, %add3A_120] : memref<64x128xf32, #tpu.memory_space<vmem>>[vector<16xi32>, vector<16xi32>], vector<16xf32>,
        %parallel_loop3A_401 = arith.constant 0 : i32
        %parallel_loop3A_402 = arith.index_cast %parallel_loop3A_401 : i32 to index
        %parallel_loop3A_403 = arith.index_cast %parallel_loop3A_381 : i32 to index
        %parallel_loop3A_404 = arith.constant 16 : index
        %parallel_loop3A_405 = tpu.vector_load %arg8[%parallel_loop3A_402, %parallel_loop3A_403, %parallel_loop3A_404] {strides = array<i32>} : memref<2x128x128xf32, #tpu.memory_space<vmem>>, vector<16xf32>,
        %parallel_loop3A_406 = arith.mulf %parallel_loop3A_400, %parallel_loop3A_405 : vector<16xf32>
        %parallel_loop3A_407 = arith.constant 0 : i32
        %parallel_loop3A_408 = arith.index_cast %parallel_loop3A_407 : i32 to index
        %parallel_loop3A_409 = arith.index_cast %parallel_loop3A_381 : i32 to index
        %parallel_loop3A_410 = arith.constant 16 : index
        %parallel_loop3A_411 = tpu.vector_load %arg9[%parallel_loop3A_408, %parallel_loop3A_409, %parallel_loop3A_410] {strides = array<i32>} : memref<2x128x128xf32, #tpu.memory_space<vmem>>, vector<16xf32>,
        tpu.vector_store %arg9[%parallel_loop3A_408, %parallel_loop3A_409, %parallel_loop3A_410], %parallel_loop3A_406 {strides = array<i32>} : memref<2x128x128xf32, #tpu.memory_space<vmem>>, vector<16xf32>,
        %parallel_loop3A_412 = tpu.vector_load_idx %arg6[%parallel_loop3A_387, %add3A_124] : memref<64x128xf32, #tpu.memory_space<vmem>>[vector<16xi32>, vector<16xi32>], vector<16xf32>,
        %parallel_loop3A_413 = arith.constant 0 : i32
        %parallel_loop3A_414 = arith.index_cast %parallel_loop3A_413 : i32 to index
        %parallel_loop3A_415 = arith.index_cast %parallel_loop3A_381 : i32 to index
        %parallel_loop3A_416 = arith.constant 32 : index
        %parallel_loop3A_417 = tpu.vector_load %arg8[%parallel_loop3A_414, %parallel_loop3A_415, %parallel_loop3A_416] {strides = array<i32>} : memref<2x128x128xf32, #tpu.memory_space<vmem>>, vector<16xf32>,
        %parallel_loop3A_418 = arith.mulf %parallel_loop3A_412, %parallel_loop3A_417 : vector<16xf32>
        %parallel_loop3A_419 = arith.constant 0 : i32
        %parallel_loop3A_420 = arith.index_cast %parallel_loop3A_419 : i32 to index
        %parallel_loop3A_421 = arith.index_cast %parallel_loop3A_381 : i32 to index
        %parallel_loop3A_422 = arith.constant 32 : index
        %parallel_loop3A_423 = tpu.vector_load %arg9[%parallel_loop3A_420, %parallel_loop3A_421, %parallel_loop3A_422] {strides = array<i32>} : memref<2x128x128xf32, #tpu.memory_space<vmem>>, vector<16xf32>,
        tpu.vector_store %arg9[%parallel_loop3A_420, %parallel_loop3A_421, %parallel_loop3A_422], %parallel_loop3A_418 {strides = array<i32>} : memref<2x128x128xf32, #tpu.memory_space<vmem>>, vector<16xf32>,
        %parallel_loop3A_424 = tpu.vector_load_idx %arg6[%parallel_loop3A_387, %add3A_128] : memref<64x128xf32, #tpu.memory_space<vmem>>[vector<16xi32>, vector<16xi32>], vector<16xf32>,
        %parallel_loop3A_425 = arith.constant 0 : i32
        %parallel_loop3A_426 = arith.index_cast %parallel_loop3A_425 : i32 to index
        %parallel_loop3A_427 = arith.index_cast %parallel_loop3A_381 : i32 to index
        %parallel_loop3A_428 = arith.constant 48 : index
        %parallel_loop3A_429 = tpu.vector_load %arg8[%parallel_loop3A_426, %parallel_loop3A_427, %parallel_loop3A_428] {strides = array<i32>} : memref<2x128x128xf32, #tpu.memory_space<vmem>>, vector<16xf32>,
        %parallel_loop3A_430 = arith.mulf %parallel_loop3A_424, %parallel_loop3A_429 : vector<16xf32>
        %parallel_loop3A_431 = arith.constant 0 : i32
        %parallel_loop3A_432 = arith.index_cast %parallel_loop3A_431 : i32 to index
        %parallel_loop3A_433 = arith.index_cast %parallel_loop3A_381 : i32 to index
        %parallel_loop3A_434 = arith.constant 48 : index
        %parallel_loop3A_435 = tpu.vector_load %arg9[%parallel_loop3A_432, %parallel_loop3A_433, %parallel_loop3A_434] {strides = array<i32>} : memref<2x128x128xf32, #tpu.memory_space<vmem>>, vector<16xf32>,
        tpu.vector_store %arg9[%parallel_loop3A_432, %parallel_loop3A_433, %parallel_loop3A_434], %parallel_loop3A_430 {strides = array<i32>} : memref<2x128x128xf32, #tpu.memory_space<vmem>>, vector<16xf32>,
        %parallel_loop3A_436 = tpu.vector_load_idx %arg6[%parallel_loop3A_387, %add3A_132] : memref<64x128xf32, #tpu.memory_space<vmem>>[vector<16xi32>, vector<16xi32>], vector<16xf32>,
        %parallel_loop3A_437 = arith.constant 0 : i32
        %parallel_loop3A_438 = arith.index_cast %parallel_loop3A_437 : i32 to index
        %parallel_loop3A_439 = arith.index_cast %parallel_loop3A_381 : i32 to index
        %parallel_loop3A_440 = arith.constant 64 : index
        %parallel_loop3A_441 = tpu.vector_load %arg8[%parallel_loop3A_438, %parallel_loop3A_439, %parallel_loop3A_440] {strides = array<i32>} : memref<2x128x128xf32, #tpu.memory_space<vmem>>, vector<16xf32>,
        %parallel_loop3A_442 = arith.mulf %parallel_loop3A_436, %parallel_loop3A_441 : vector<16xf32>
        %parallel_loop3A_443 = arith.constant 0 : i32
        %parallel_loop3A_444 = arith.index_cast %parallel_loop3A_443 : i32 to index
        %parallel_loop3A_445 = arith.index_cast %parallel_loop3A_381 : i32 to index
        %parallel_loop3A_446 = arith.constant 64 : index
        %parallel_loop3A_447 = tpu.vector_load %arg9[%parallel_loop3A_444, %parallel_loop3A_445, %parallel_loop3A_446] {strides = array<i32>} : memref<2x128x128xf32, #tpu.memory_space<vmem>>, vector<16xf32>,
        tpu.vector_store %arg9[%parallel_loop3A_444, %parallel_loop3A_445, %parallel_loop3A_446], %parallel_loop3A_442 {strides = array<i32>} : memref<2x128x128xf32, #tpu.memory_space<vmem>>, vector<16xf32>,
        %parallel_loop3A_448 = tpu.vector_load_idx %arg6[%parallel_loop3A_387, %add3A_136] : memref<64x128xf32, #tpu.memory_space<vmem>>[vector<16xi32>, vector<16xi32>], vector<16xf32>,
        %parallel_loop3A_449 = arith.constant 0 : i32
        %parallel_loop3A_450 = arith.index_cast %parallel_loop3A_449 : i32 to index
        %parallel_loop3A_451 = arith.index_cast %parallel_loop3A_381 : i32 to index
        %parallel_loop3A_452 = arith.constant 80 : index
        %parallel_loop3A_453 = tpu.vector_load %arg8[%parallel_loop3A_450, %parallel_loop3A_451, %parallel_loop3A_452] {strides = array<i32>} : memref<2x128x128xf32, #tpu.memory_space<vmem>>, vector<16xf32>,
        %parallel_loop3A_454 = arith.mulf %parallel_loop3A_448, %parallel_loop3A_453 : vector<16xf32>
        %parallel_loop3A_455 = arith.constant 0 : i32
        %parallel_loop3A_456 = arith.index_cast %parallel_loop3A_455 : i32 to index
        %parallel_loop3A_457 = arith.index_cast %parallel_loop3A_381 : i32 to index
        %parallel_loop3A_458 = arith.constant 80 : index
        %parallel_loop3A_459 = tpu.vector_load %arg9[%parallel_loop3A_456, %parallel_loop3A_457, %parallel_loop3A_458] {strides = array<i32>} : memref<2x128x128xf32, #tpu.memory_space<vmem>>, vector<16xf32>,
        tpu.vector_store %arg9[%parallel_loop3A_456, %parallel_loop3A_457, %parallel_loop3A_458], %parallel_loop3A_454 {strides = array<i32>} : memref<2x128x128xf32, #tpu.memory_space<vmem>>, vector<16xf32>,
        %parallel_loop3A_460 = tpu.vector_load_idx %arg6[%parallel_loop3A_387, %add3A_140] : memref<64x128xf32, #tpu.memory_space<vmem>>[vector<16xi32>, vector<16xi32>], vector<16xf32>,
        %parallel_loop3A_461 = arith.constant 0 : i32
        %parallel_loop3A_462 = arith.index_cast %parallel_loop3A_461 : i32 to index
        %parallel_loop3A_463 = arith.index_cast %parallel_loop3A_381 : i32 to index
        %parallel_loop3A_464 = arith.constant 96 : index
        %parallel_loop3A_465 = tpu.vector_load %arg8[%parallel_loop3A_462, %parallel_loop3A_463, %parallel_loop3A_464] {strides = array<i32>} : memref<2x128x128xf32, #tpu.memory_space<vmem>>, vector<16xf32>,
        %parallel_loop3A_466 = arith.mulf %parallel_loop3A_460, %parallel_loop3A_465 : vector<16xf32>
        %parallel_loop3A_467 = arith.constant 0 : i32
        %parallel_loop3A_468 = arith.index_cast %parallel_loop3A_467 : i32 to index
        %parallel_loop3A_469 = arith.index_cast %parallel_loop3A_381 : i32 to index
        %parallel_loop3A_470 = arith.constant 96 : index
        %parallel_loop3A_471 = tpu.vector_load %arg9[%parallel_loop3A_468, %parallel_loop3A_469, %parallel_loop3A_470] {strides = array<i32>} : memref<2x128x128xf32, #tpu.memory_space<vmem>>, vector<16xf32>,
        tpu.vector_store %arg9[%parallel_loop3A_468, %parallel_loop3A_469, %parallel_loop3A_470], %parallel_loop3A_466 {strides = array<i32>} : memref<2x128x128xf32, #tpu.memory_space<vmem>>, vector<16xf32>,
        %parallel_loop3A_472 = tpu.vector_load_idx %arg6[%parallel_loop3A_387, %add3A_144] : memref<64x128xf32, #tpu.memory_space<vmem>>[vector<16xi32>, vector<16xi32>], vector<16xf32>,
        %parallel_loop3A_473 = arith.constant 0 : i32
        %parallel_loop3A_474 = arith.index_cast %parallel_loop3A_473 : i32 to index
        %parallel_loop3A_475 = arith.index_cast %parallel_loop3A_381 : i32 to index
        %parallel_loop3A_476 = arith.constant 112 : index
        %parallel_loop3A_477 = tpu.vector_load %arg8[%parallel_loop3A_474, %parallel_loop3A_475, %parallel_loop3A_476] {strides = array<i32>} : memref<2x128x128xf32, #tpu.memory_space<vmem>>, vector<16xf32>,
        %parallel_loop3A_478 = arith.mulf %parallel_loop3A_472, %parallel_loop3A_477 : vector<16xf32>
        %parallel_loop3A_479 = arith.constant 0 : i32
        %parallel_loop3A_480 = arith.index_cast %parallel_loop3A_479 : i32 to index
        %parallel_loop3A_481 = arith.index_cast %parallel_loop3A_381 : i32 to index
        %parallel_loop3A_482 = arith.constant 112 : index
        %parallel_loop3A_483 = tpu.vector_load %arg9[%parallel_loop3A_480, %parallel_loop3A_481, %parallel_loop3A_482] {strides = array<i32>} : memref<2x128x128xf32, #tpu.memory_space<vmem>>, vector<16xf32>,
        tpu.vector_store %arg9[%parallel_loop3A_480, %parallel_loop3A_481, %parallel_loop3A_482], %parallel_loop3A_478 {strides = array<i32>} : memref<2x128x128xf32, #tpu.memory_space<vmem>>, vector<16xf32>,
      } {sc.loop_unroll_factor = 8 : i64, sc.parallel_access}
      %mul3A_256 = arith.constant 128 : i32
      %mul3A_257 = arith.muli %add3A_189, %mul3A_256 : i32
      %add3A_258 = arith.addi %mul3A_2, %mul3A_257 : i32
      %dma_start3A_259 = arith.constant 0 : i32
      %dma_start3A_260 = arith.constant 0 : i32
      %dma_start3A_261 = arith.constant 0 : i32
      %dma_start3A_262 = arith.constant 0 : i32
      %dma_start3A_263 = tpu.memref_slice %arg9[%dma_start3A_259, %dma_start3A_261, %dma_start3A_262] : memref<2x128x128xf32, #tpu.memory_space<vmem>> -> memref<1x128x128xf32, #tpu.memory_space<vmem>>
      %dma_start3A_264 = tpu.memref_squeeze %dma_start3A_263 : memref<1x128x128xf32, #tpu.memory_space<vmem>> -> memref<128x128xf32, #tpu.memory_space<vmem>>
      %dma_start3A_265 = arith.constant 0 : i32
      %dma_start3A_266 = tpu.memref_slice %arg5[%add3A_258, %dma_start3A_265] : memref<819200x128xf32, #tpu.memory_space<hbm>> -> memref<128x128xf32, #tpu.memory_space<hbm>>
      %dma_start3A_267 = tpu.memref_slice %arg11[%dma_start3A_260] : memref<2x!tpu.dma_semaphore, #tpu.memory_space<semaphore_mem>> -> memref<1x!tpu.dma_semaphore, #tpu.memory_space<semaphore_mem>>
      %dma_start3A_268 = tpu.memref_squeeze %dma_start3A_267 : memref<1x!tpu.dma_semaphore, #tpu.memory_space<semaphore_mem>> -> memref<!tpu.dma_semaphore, #tpu.memory_space<semaphore_mem>>
      %dma_start3A_269 = arith.constant 0 : i32
      %dma_start3A_270 = tpu.memref_slice %arg5[%add3A_258, %dma_start3A_269] : memref<819200x128xf32, #tpu.memory_space<hbm>> -> memref<128x128xf32, #tpu.memory_space<hbm>>
      %dma_start3A_271 = arith.constant 0 : i32
      %dma_start3A_272 = arith.constant 0 : i32
      %dma_start3A_273 = tpu.memref_slice %arg9[%dma_start3A_259, %dma_start3A_271, %dma_start3A_272] : memref<2x128x128xf32, #tpu.memory_space<vmem>> -> memref<1x128x128xf32, #tpu.memory_space<vmem>>
      %dma_start3A_274 = tpu.memref_squeeze %dma_start3A_273 : memref<1x128x128xf32, #tpu.memory_space<vmem>> -> memref<128x128xf32, #tpu.memory_space<vmem>>
      tpu.enqueue_dma source(%dma_start3A_274 : memref<128x128xf32, #tpu.memory_space<vmem>>) target(%dma_start3A_270 : memref<128x128xf32, #tpu.memory_space<hbm>>) target_semaphore(%dma_start3A_268 : memref<!tpu.dma_semaphore, #tpu.memory_space<semaphore_mem>>)
      %add3A_275 = arith.constant 2 : i32
      %add3A_276 = arith.addi %add3A_189, %add3A_275 : i32
      %lt3A = arith.constant 200 : i32
      %lt3A_277 = arith.cmpi slt, %add3A_276, %lt3A : i32
      %convert_element_type3A_278 = arith.extui %lt3A_277 : i1 to i32
      %cond3A_279 = arith.constant 0 : i32
      %cond3A_280 = arith.cmpi ne, %convert_element_type3A_278, %cond3A_279 : i32
      scf.if %cond3A_280 {
        %add3A_381 = arith.constant 2 : i32
        %add3A_382 = arith.addi %add3A_189, %add3A_381 : i32
        %mul3A_383 = arith.constant 128 : i32
        %mul3A_384 = arith.muli %add3A_382, %mul3A_383 : i32
        %add3A_385 = arith.addi %mul3A_2, %mul3A_384 : i32
        %jit3A_386 = arith.constant 128 : i32
        %div3A_387 = arith.divsi %add3A_385, %jit3A_386 : i32
        %sign3A_388 = arith.constant 0 : i32
        %sign3A_389 = arith.cmpi sgt, %add3A_385, %sign3A_388 : i32
        %sign3A_390 = arith.extui %sign3A_389 : i1 to i32
        %sign3A_391 = arith.constant 0 : i32
        %sign3A_392 = arith.cmpi slt, %add3A_385, %sign3A_391 : i32
        %sign3A_393 = arith.extui %sign3A_392 : i1 to i32
        %sign3A_394 = arith.subi %sign3A_390, %sign3A_393 : i32
        %sign3A_395 = arith.constant 0 : i32
        %sign3A_396 = arith.cmpi sgt, %jit3A_386, %sign3A_395 : i32
        %sign3A_397 = arith.extui %sign3A_396 : i1 to i32
        %sign3A_398 = arith.constant 0 : i32
        %sign3A_399 = arith.cmpi slt, %jit3A_386, %sign3A_398 : i32
        %sign3A_400 = arith.extui %sign3A_399 : i1 to i32
        %sign3A_401 = arith.subi %sign3A_397, %sign3A_400 : i32
        %ne3A_402 = arith.cmpi ne, %sign3A_394, %sign3A_401 : i32
        %rem3A_403 = arith.remsi %add3A_385, %jit3A_386 : i32
        %ne3A_404 = arith.constant 0 : i32
        %ne3A_405 = arith.cmpi ne, %rem3A_403, %ne3A_404 : i32
        %and3A_406 = arith.andi %ne3A_402, %ne3A_405 : i1
        %sub3A_407 = arith.constant 1 : i32
        %sub3A_408 = arith.subi %div3A_387, %sub3A_407 : i32
        %select_n3A_409 = arith.select %and3A_406, %sub3A_408, %div3A_387 : i32
        %mul3A_410 = arith.constant 128 : i32
        %mul3A_411 = arith.muli %add3A_382, %mul3A_410 : i32
        %add3A_412 = arith.addi %mul3A_2, %mul3A_411 : i32
        %dma_start3A_413 = arith.constant 0 : i32
        %dma_start3A_414 = arith.constant 0 : i32
        %dma_start3A_415 = arith.constant 0 : i32
        %dma_start3A_416 = tpu.memref_slice %arg7[%dma_start3A_413, %dma_start3A_415] : memref<2x128xi32, #tpu.memory_space<vmem>> -> memref<1x128xi32, #tpu.memory_space<vmem>>
        %dma_start3A_417 = tpu.memref_squeeze %dma_start3A_416 : memref<1x128xi32, #tpu.memory_space<vmem>> -> memref<128xi32, #tpu.memory_space<vmem>>
        %dma_start3A_418 = arith.constant 0 : i32
        %dma_start3A_419 = tpu.memref_slice %arg2[%select_n3A_409, %dma_start3A_418] : memref<6400x128xi32, #tpu.memory_space<hbm>> -> memref<1x128xi32, #tpu.memory_space<hbm>>
        %dma_start3A_420 = tpu.memref_squeeze %dma_start3A_419 : memref<1x128xi32, #tpu.memory_space<hbm>> -> memref<128xi32, #tpu.memory_space<hbm>>
        %dma_start3A_421 = tpu.memref_slice %arg10[%dma_start3A_414] : memref<2x!tpu.dma_semaphore, #tpu.memory_space<semaphore_mem>> -> memref<1x!tpu.dma_semaphore, #tpu.memory_space<semaphore_mem>>
        %dma_start3A_422 = tpu.memref_squeeze %dma_start3A_421 : memref<1x!tpu.dma_semaphore, #tpu.memory_space<semaphore_mem>> -> memref<!tpu.dma_semaphore, #tpu.memory_space<semaphore_mem>>
        %dma_start3A_423 = arith.constant 0 : i32
        %dma_start3A_424 = tpu.memref_slice %arg7[%dma_start3A_413, %dma_start3A_423] : memref<2x128xi32, #tpu.memory_space<vmem>> -> memref<1x128xi32, #tpu.memory_space<vmem>>
        %dma_start3A_425 = tpu.memref_squeeze %dma_start3A_424 : memref<1x128xi32, #tpu.memory_space<vmem>> -> memref<128xi32, #tpu.memory_space<vmem>>
        %dma_start3A_426 = arith.constant 0 : i32
        %dma_start3A_427 = tpu.memref_slice %arg2[%select_n3A_409, %dma_start3A_426] : memref<6400x128xi32, #tpu.memory_space<hbm>> -> memref<1x128xi32, #tpu.memory_space<hbm>>
        %dma_start3A_428 = tpu.memref_squeeze %dma_start3A_427 : memref<1x128xi32, #tpu.memory_space<hbm>> -> memref<128xi32, #tpu.memory_space<hbm>>
        tpu.enqueue_dma source(%dma_start3A_428 : memref<128xi32, #tpu.memory_space<hbm>>) target(%dma_start3A_425 : memref<128xi32, #tpu.memory_space<vmem>>) target_semaphore(%dma_start3A_422 : memref<!tpu.dma_semaphore, #tpu.memory_space<semaphore_mem>>)
        %dma_start3A_429 = arith.constant 0 : i32
        %dma_start3A_430 = arith.constant 0 : i32
        %dma_start3A_431 = arith.constant 0 : i32
        %dma_start3A_432 = arith.constant 0 : i32
        %dma_start3A_433 = tpu.memref_slice %arg8[%dma_start3A_429, %dma_start3A_431, %dma_start3A_432] : memref<2x128x128xf32, #tpu.memory_space<vmem>> -> memref<1x128x128xf32, #tpu.memory_space<vmem>>
        %dma_start3A_434 = tpu.memref_squeeze %dma_start3A_433 : memref<1x128x128xf32, #tpu.memory_space<vmem>> -> memref<128x128xf32, #tpu.memory_space<vmem>>
        %dma_start3A_435 = arith.constant 0 : i32
        %dma_start3A_436 = tpu.memref_slice %arg3[%add3A_412, %dma_start3A_435] : memref<819200x128xf32, #tpu.memory_space<hbm>> -> memref<128x128xf32, #tpu.memory_space<hbm>>
        %dma_start3A_437 = tpu.memref_slice %arg10[%dma_start3A_430] : memref<2x!tpu.dma_semaphore, #tpu.memory_space<semaphore_mem>> -> memref<1x!tpu.dma_semaphore, #tpu.memory_space<semaphore_mem>>
        %dma_start3A_438 = tpu.memref_squeeze %dma_start3A_437 : memref<1x!tpu.dma_semaphore, #tpu.memory_space<semaphore_mem>> -> memref<!tpu.dma_semaphore, #tpu.memory_space<semaphore_mem>>
        %dma_start3A_439 = arith.constant 0 : i32
        %dma_start3A_440 = arith.constant 0 : i32
        %dma_start3A_441 = tpu.memref_slice %arg8[%dma_start3A_429, %dma_start3A_439, %dma_start3A_440] : memref<2x128x128xf32, #tpu.memory_space<vmem>> -> memref<1x128x128xf32, #tpu.memory_space<vmem>>
        %dma_start3A_442 = tpu.memref_squeeze %dma_start3A_441 : memref<1x128x128xf32, #tpu.memory_space<vmem>> -> memref<128x128xf32, #tpu.memory_space<vmem>>
        %dma_start3A_443 = arith.constant 0 : i32
        %dma_start3A_444 = tpu.memref_slice %arg3[%add3A_412, %dma_start3A_443] : memref<819200x128xf32, #tpu.memory_space<hbm>> -> memref<128x128xf32, #tpu.memory_space<hbm>>
        tpu.enqueue_dma source(%dma_start3A_444 : memref<128x128xf32, #tpu.memory_space<hbm>>) target(%dma_start3A_442 : memref<128x128xf32, #tpu.memory_space<vmem>>) target_semaphore(%dma_start3A_438 : memref<!tpu.dma_semaphore, #tpu.memory_space<semaphore_mem>>)
      } else {
      }
      %mul3A_281 = arith.constant 2 : i32
      %mul3A_282 = arith.muli %scan3A_185, %mul3A_281 : i32
      %add3A_283 = arith.constant 1 : i32
      %add3A_284 = arith.addi %mul3A_282, %add3A_283 : i32
      %mul3A_285 = arith.constant 128 : i32
      %mul3A_286 = arith.muli %add3A_284, %mul3A_285 : i32
      %add3A_287 = arith.addi %mul3A_2, %mul3A_286 : i32
      %jit3A_288 = arith.constant 128 : i32
      %div3A_289 = arith.divsi %add3A_287, %jit3A_288 : i32
      %sign3A_290 = arith.constant 0 : i32
      %sign3A_291 = arith.cmpi sgt, %add3A_287, %sign3A_290 : i32
      %sign3A_292 = arith.extui %sign3A_291 : i1 to i32
      %sign3A_293 = arith.constant 0 : i32
      %sign3A_294 = arith.cmpi slt, %add3A_287, %sign3A_293 : i32
      %sign3A_295 = arith.extui %sign3A_294 : i1 to i32
      %sign3A_296 = arith.subi %sign3A_292, %sign3A_295 : i32
      %sign3A_297 = arith.constant 0 : i32
      %sign3A_298 = arith.cmpi sgt, %jit3A_288, %sign3A_297 : i32
      %sign3A_299 = arith.extui %sign3A_298 : i1 to i32
      %sign3A_300 = arith.constant 0 : i32
      %sign3A_301 = arith.cmpi slt, %jit3A_288, %sign3A_300 : i32
      %sign3A_302 = arith.extui %sign3A_301 : i1 to i32
      %sign3A_303 = arith.subi %sign3A_299, %sign3A_302 : i32
      %ne3A_304 = arith.cmpi ne, %sign3A_296, %sign3A_303 : i32
      %rem3A_305 = arith.remsi %add3A_287, %jit3A_288 : i32
      %ne3A_306 = arith.constant 0 : i32
      %ne3A_307 = arith.cmpi ne, %rem3A_305, %ne3A_306 : i32
      %and3A_308 = arith.andi %ne3A_304, %ne3A_307 : i1
      %sub3A_309 = arith.constant 1 : i32
      %sub3A_310 = arith.subi %div3A_289, %sub3A_309 : i32
      %select_n3A_311 = arith.select %and3A_308, %sub3A_310, %div3A_289 : i32
      %mul3A_312 = arith.constant 128 : i32
      %mul3A_313 = arith.muli %add3A_284, %mul3A_312 : i32
      %add3A_314 = arith.addi %mul3A_2, %mul3A_313 : i32
      %dma_wait3A_315 = arith.constant 1 : i32
      %dma_wait3A_316 = arith.constant 1 : i32
      %dma_wait3A_317 = arith.constant 0 : i32
      %dma_wait3A_318 = tpu.memref_slice %arg7[%dma_wait3A_315, %dma_wait3A_317] : memref<2x128xi32, #tpu.memory_space<vmem>> -> memref<1x128xi32, #tpu.memory_space<vmem>>
      %dma_wait3A_319 = tpu.memref_squeeze %dma_wait3A_318 : memref<1x128xi32, #tpu.memory_space<vmem>> -> memref<128xi32, #tpu.memory_space<vmem>>
      %dma_wait3A_320 = arith.constant 0 : i32
      %dma_wait3A_321 = tpu.memref_slice %arg2[%select_n3A_311, %dma_wait3A_320] : memref<6400x128xi32, #tpu.memory_space<hbm>> -> memref<1x128xi32, #tpu.memory_space<hbm>>
      %dma_wait3A_322 = tpu.memref_squeeze %dma_wait3A_321 : memref<1x128xi32, #tpu.memory_space<hbm>> -> memref<128xi32, #tpu.memory_space<hbm>>
      %dma_wait3A_323 = tpu.memref_slice %arg10[%dma_wait3A_316] : memref<2x!tpu.dma_semaphore, #tpu.memory_space<semaphore_mem>> -> memref<1x!tpu.dma_semaphore, #tpu.memory_space<semaphore_mem>>
      %dma_wait3A_324 = tpu.memref_squeeze %dma_wait3A_323 : memref<1x!tpu.dma_semaphore, #tpu.memory_space<semaphore_mem>> -> memref<!tpu.dma_semaphore, #tpu.memory_space<semaphore_mem>>
      %dma_wait3A_325 = arith.constant 0 : i32
      %dma_wait3A_326 = tpu.memref_slice %arg7[%dma_wait3A_315, %dma_wait3A_325] : memref<2x128xi32, #tpu.memory_space<vmem>> -> memref<1x128xi32, #tpu.memory_space<vmem>>
      %dma_wait3A_327 = tpu.memref_squeeze %dma_wait3A_326 : memref<1x128xi32, #tpu.memory_space<vmem>> -> memref<128xi32, #tpu.memory_space<vmem>>
      %dma_wait3A_328 = arith.constant 0 : i32
      %dma_wait3A_329 = tpu.memref_slice %arg2[%select_n3A_311, %dma_wait3A_328] : memref<6400x128xi32, #tpu.memory_space<hbm>> -> memref<1x128xi32, #tpu.memory_space<hbm>>
      %dma_wait3A_330 = tpu.memref_squeeze %dma_wait3A_329 : memref<1x128xi32, #tpu.memory_space<hbm>> -> memref<128xi32, #tpu.memory_space<hbm>>
      tpu.wait_dma2 semaphore(%dma_wait3A_324 : memref<!tpu.dma_semaphore, #tpu.memory_space<semaphore_mem>>) src(%dma_wait3A_330 : memref<128xi32, #tpu.memory_space<hbm>>) dst(%dma_wait3A_327 : memref<128xi32, #tpu.memory_space<vmem>>)
      %dma_wait3A_331 = arith.constant 1 : i32
      %dma_wait3A_332 = arith.constant 1 : i32
      %dma_wait3A_333 = arith.constant 0 : i32
      %dma_wait3A_334 = arith.constant 0 : i32
      %dma_wait3A_335 = tpu.memref_slice %arg8[%dma_wait3A_331, %dma_wait3A_333, %dma_wait3A_334] : memref<2x128x128xf32, #tpu.memory_space<vmem>> -> memref<1x128x128xf32, #tpu.memory_space<vmem>>
      %dma_wait3A_336 = tpu.memref_squeeze %dma_wait3A_335 : memref<1x128x128xf32, #tpu.memory_space<vmem>> -> memref<128x128xf32, #tpu.memory_space<vmem>>
      %dma_wait3A_337 = arith.constant 0 : i32
      %dma_wait3A_338 = tpu.memref_slice %arg3[%add3A_314, %dma_wait3A_337] : memref<819200x128xf32, #tpu.memory_space<hbm>> -> memref<128x128xf32, #tpu.memory_space<hbm>>
      %dma_wait3A_339 = tpu.memref_slice %arg10[%dma_wait3A_332] : memref<2x!tpu.dma_semaphore, #tpu.memory_space<semaphore_mem>> -> memref<1x!tpu.dma_semaphore, #tpu.memory_space<semaphore_mem>>
      %dma_wait3A_340 = tpu.memref_squeeze %dma_wait3A_339 : memref<1x!tpu.dma_semaphore, #tpu.memory_space<semaphore_mem>> -> memref<!tpu.dma_semaphore, #tpu.memory_space<semaphore_mem>>
      %dma_wait3A_341 = arith.constant 0 : i32
      %dma_wait3A_342 = arith.constant 0 : i32
      %dma_wait3A_343 = tpu.memref_slice %arg8[%dma_wait3A_331, %dma_wait3A_341, %dma_wait3A_342] : memref<2x128x128xf32, #tpu.memory_space<vmem>> -> memref<1x128x128xf32, #tpu.memory_space<vmem>>
      %dma_wait3A_344 = tpu.memref_squeeze %dma_wait3A_343 : memref<1x128x128xf32, #tpu.memory_space<vmem>> -> memref<128x128xf32, #tpu.memory_space<vmem>>
      %dma_wait3A_345 = arith.constant 0 : i32
      %dma_wait3A_346 = tpu.memref_slice %arg3[%add3A_314, %dma_wait3A_345] : memref<819200x128xf32, #tpu.memory_space<hbm>> -> memref<128x128xf32, #tpu.memory_space<hbm>>
      tpu.wait_dma2 semaphore(%dma_wait3A_340 : memref<!tpu.dma_semaphore, #tpu.memory_space<semaphore_mem>>) src(%dma_wait3A_346 : memref<128x128xf32, #tpu.memory_space<hbm>>) dst(%dma_wait3A_344 : memref<128x128xf32, #tpu.memory_space<vmem>>)
      %gt3A_347 = arith.constant 0 : i32
      %gt3A_348 = arith.cmpi sgt, %scan3A_185, %gt3A_347 : i32
      %convert_element_type3A_349 = arith.extui %gt3A_348 : i1 to i32
      %cond3A_350 = arith.constant 0 : i32
      %cond3A_351 = arith.cmpi ne, %convert_element_type3A_349, %cond3A_350 : i32
      scf.if %cond3A_351 {
        %mul3A_381 = arith.constant 128 : i32
        %mul3A_382 = arith.muli %add3A_284, %mul3A_381 : i32
        %add3A_383 = arith.addi %mul3A_2, %mul3A_382 : i32
        %dma_wait3A_384 = arith.constant 1 : i32
        %dma_wait3A_385 = arith.constant 1 : i32
        %dma_wait3A_386 = arith.constant 0 : i32
        %dma_wait3A_387 = arith.constant 0 : i32
        %dma_wait3A_388 = tpu.memref_slice %arg9[%dma_wait3A_384, %dma_wait3A_386, %dma_wait3A_387] : memref<2x128x128xf32, #tpu.memory_space<vmem>> -> memref<1x128x128xf32, #tpu.memory_space<vmem>>
        %dma_wait3A_389 = tpu.memref_squeeze %dma_wait3A_388 : memref<1x128x128xf32, #tpu.memory_space<vmem>> -> memref<128x128xf32, #tpu.memory_space<vmem>>
        %dma_wait3A_390 = arith.constant 0 : i32
        %dma_wait3A_391 = tpu.memref_slice %arg5[%add3A_383, %dma_wait3A_390] : memref<819200x128xf32, #tpu.memory_space<hbm>> -> memref<128x128xf32, #tpu.memory_space<hbm>>
        %dma_wait3A_392 = tpu.memref_slice %arg11[%dma_wait3A_385] : memref<2x!tpu.dma_semaphore, #tpu.memory_space<semaphore_mem>> -> memref<1x!tpu.dma_semaphore, #tpu.memory_space<semaphore_mem>>
        %dma_wait3A_393 = tpu.memref_squeeze %dma_wait3A_392 : memref<1x!tpu.dma_semaphore, #tpu.memory_space<semaphore_mem>> -> memref<!tpu.dma_semaphore, #tpu.memory_space<semaphore_mem>>
        %dma_wait3A_394 = arith.constant 0 : i32
        %dma_wait3A_395 = tpu.memref_slice %arg5[%add3A_383, %dma_wait3A_394] : memref<819200x128xf32, #tpu.memory_space<hbm>> -> memref<128x128xf32, #tpu.memory_space<hbm>>
        %dma_wait3A_396 = arith.constant 0 : i32
        %dma_wait3A_397 = arith.constant 0 : i32
        %dma_wait3A_398 = tpu.memref_slice %arg9[%dma_wait3A_384, %dma_wait3A_396, %dma_wait3A_397] : memref<2x128x128xf32, #tpu.memory_space<vmem>> -> memref<1x128x128xf32, #tpu.memory_space<vmem>>
        %dma_wait3A_399 = tpu.memref_squeeze %dma_wait3A_398 : memref<1x128x128xf32, #tpu.memory_space<vmem>> -> memref<128x128xf32, #tpu.memory_space<vmem>>
        tpu.wait_dma2 semaphore(%dma_wait3A_393 : memref<!tpu.dma_semaphore, #tpu.memory_space<semaphore_mem>>) src(%dma_wait3A_399 : memref<128x128xf32, #tpu.memory_space<vmem>>) dst(%dma_wait3A_395 : memref<128x128xf32, #tpu.memory_space<hbm>>)
      } else {
      }
      %parallel_loop3A_352 = arith.constant 0 : i32
      %parallel_loop3A_353 = arith.constant 128 : i32
      %parallel_loop3A_354 = arith.constant 1 : i32
      scf.for %parallel_loop3A_381 = %parallel_loop3A_352 to %parallel_loop3A_353 step %parallel_loop3A_354  : i32 {
        %parallel_loop3A_382 = vector.broadcast %parallel_loop3A_381 : i32 to vector<16xi32>
        %parallel_loop3A_383 = arith.constant 1 : i32
        %parallel_loop3A_384 = arith.constant 0 : i32
        %parallel_loop3A_385 = tpu.memref_slice %arg7[%parallel_loop3A_383, %parallel_loop3A_384] : memref<2x128xi32, #tpu.memory_space<vmem>> -> memref<1x128xi32, #tpu.memory_space<vmem>>
        %parallel_loop3A_386 = tpu.memref_squeeze %parallel_loop3A_385 : memref<1x128xi32, #tpu.memory_space<vmem>> -> memref<128xi32, #tpu.memory_space<vmem>>
        %parallel_loop3A_387 = tpu.vector_load_idx %parallel_loop3A_386[%parallel_loop3A_382] : memref<128xi32, #tpu.memory_space<vmem>>[vector<16xi32>], vector<16xi32>,
        %parallel_loop3A_388 = tpu.vector_load_idx %arg6[%parallel_loop3A_387, %add3A_116] : memref<64x128xf32, #tpu.memory_space<vmem>>[vector<16xi32>, vector<16xi32>], vector<16xf32>,
        %parallel_loop3A_389 = arith.constant 1 : i32
        %parallel_loop3A_390 = arith.index_cast %parallel_loop3A_389 : i32 to index
        %parallel_loop3A_391 = arith.index_cast %parallel_loop3A_381 : i32 to index
        %parallel_loop3A_392 = arith.constant 0 : index
        %parallel_loop3A_393 = tpu.vector_load %arg8[%parallel_loop3A_390, %parallel_loop3A_391, %parallel_loop3A_392] {strides = array<i32>} : memref<2x128x128xf32, #tpu.memory_space<vmem>>, vector<16xf32>,
        %parallel_loop3A_394 = arith.mulf %parallel_loop3A_388, %parallel_loop3A_393 : vector<16xf32>
        %parallel_loop3A_395 = arith.constant 1 : i32
        %parallel_loop3A_396 = arith.index_cast %parallel_loop3A_395 : i32 to index
        %parallel_loop3A_397 = arith.index_cast %parallel_loop3A_381 : i32 to index
        %parallel_loop3A_398 = arith.constant 0 : index
        %parallel_loop3A_399 = tpu.vector_load %arg9[%parallel_loop3A_396, %parallel_loop3A_397, %parallel_loop3A_398] {strides = array<i32>} : memref<2x128x128xf32, #tpu.memory_space<vmem>>, vector<16xf32>,
        tpu.vector_store %arg9[%parallel_loop3A_396, %parallel_loop3A_397, %parallel_loop3A_398], %parallel_loop3A_394 {strides = array<i32>} : memref<2x128x128xf32, #tpu.memory_space<vmem>>, vector<16xf32>,
        %parallel_loop3A_400 = tpu.vector_load_idx %arg6[%parallel_loop3A_387, %add3A_120] : memref<64x128xf32, #tpu.memory_space<vmem>>[vector<16xi32>, vector<16xi32>], vector<16xf32>,
        %parallel_loop3A_401 = arith.constant 1 : i32
        %parallel_loop3A_402 = arith.index_cast %parallel_loop3A_401 : i32 to index
        %parallel_loop3A_403 = arith.index_cast %parallel_loop3A_381 : i32 to index
        %parallel_loop3A_404 = arith.constant 16 : index
        %parallel_loop3A_405 = tpu.vector_load %arg8[%parallel_loop3A_402, %parallel_loop3A_403, %parallel_loop3A_404] {strides = array<i32>} : memref<2x128x128xf32, #tpu.memory_space<vmem>>, vector<16xf32>,
        %parallel_loop3A_406 = arith.mulf %parallel_loop3A_400, %parallel_loop3A_405 : vector<16xf32>
        %parallel_loop3A_407 = arith.constant 1 : i32
        %parallel_loop3A_408 = arith.index_cast %parallel_loop3A_407 : i32 to index
        %parallel_loop3A_409 = arith.index_cast %parallel_loop3A_381 : i32 to index
        %parallel_loop3A_410 = arith.constant 16 : index
        %parallel_loop3A_411 = tpu.vector_load %arg9[%parallel_loop3A_408, %parallel_loop3A_409, %parallel_loop3A_410] {strides = array<i32>} : memref<2x128x128xf32, #tpu.memory_space<vmem>>, vector<16xf32>,
        tpu.vector_store %arg9[%parallel_loop3A_408, %parallel_loop3A_409, %parallel_loop3A_410], %parallel_loop3A_406 {strides = array<i32>} : memref<2x128x128xf32, #tpu.memory_space<vmem>>, vector<16xf32>,
        %parallel_loop3A_412 = tpu.vector_load_idx %arg6[%parallel_loop3A_387, %add3A_124] : memref<64x128xf32, #tpu.memory_space<vmem>>[vector<16xi32>, vector<16xi32>], vector<16xf32>,
        %parallel_loop3A_413 = arith.constant 1 : i32
        %parallel_loop3A_414 = arith.index_cast %parallel_loop3A_413 : i32 to index
        %parallel_loop3A_415 = arith.index_cast %parallel_loop3A_381 : i32 to index
        %parallel_loop3A_416 = arith.constant 32 : index
        %parallel_loop3A_417 = tpu.vector_load %arg8[%parallel_loop3A_414, %parallel_loop3A_415, %parallel_loop3A_416] {strides = array<i32>} : memref<2x128x128xf32, #tpu.memory_space<vmem>>, vector<16xf32>,
        %parallel_loop3A_418 = arith.mulf %parallel_loop3A_412, %parallel_loop3A_417 : vector<16xf32>
        %parallel_loop3A_419 = arith.constant 1 : i32
        %parallel_loop3A_420 = arith.index_cast %parallel_loop3A_419 : i32 to index
        %parallel_loop3A_421 = arith.index_cast %parallel_loop3A_381 : i32 to index
        %parallel_loop3A_422 = arith.constant 32 : index
        %parallel_loop3A_423 = tpu.vector_load %arg9[%parallel_loop3A_420, %parallel_loop3A_421, %parallel_loop3A_422] {strides = array<i32>} : memref<2x128x128xf32, #tpu.memory_space<vmem>>, vector<16xf32>,
        tpu.vector_store %arg9[%parallel_loop3A_420, %parallel_loop3A_421, %parallel_loop3A_422], %parallel_loop3A_418 {strides = array<i32>} : memref<2x128x128xf32, #tpu.memory_space<vmem>>, vector<16xf32>,
        %parallel_loop3A_424 = tpu.vector_load_idx %arg6[%parallel_loop3A_387, %add3A_128] : memref<64x128xf32, #tpu.memory_space<vmem>>[vector<16xi32>, vector<16xi32>], vector<16xf32>,
        %parallel_loop3A_425 = arith.constant 1 : i32
        %parallel_loop3A_426 = arith.index_cast %parallel_loop3A_425 : i32 to index
        %parallel_loop3A_427 = arith.index_cast %parallel_loop3A_381 : i32 to index
        %parallel_loop3A_428 = arith.constant 48 : index
        %parallel_loop3A_429 = tpu.vector_load %arg8[%parallel_loop3A_426, %parallel_loop3A_427, %parallel_loop3A_428] {strides = array<i32>} : memref<2x128x128xf32, #tpu.memory_space<vmem>>, vector<16xf32>,
        %parallel_loop3A_430 = arith.mulf %parallel_loop3A_424, %parallel_loop3A_429 : vector<16xf32>
        %parallel_loop3A_431 = arith.constant 1 : i32
        %parallel_loop3A_432 = arith.index_cast %parallel_loop3A_431 : i32 to index
        %parallel_loop3A_433 = arith.index_cast %parallel_loop3A_381 : i32 to index
        %parallel_loop3A_434 = arith.constant 48 : index
        %parallel_loop3A_435 = tpu.vector_load %arg9[%parallel_loop3A_432, %parallel_loop3A_433, %parallel_loop3A_434] {strides = array<i32>} : memref<2x128x128xf32, #tpu.memory_space<vmem>>, vector<16xf32>,
        tpu.vector_store %arg9[%parallel_loop3A_432, %parallel_loop3A_433, %parallel_loop3A_434], %parallel_loop3A_430 {strides = array<i32>} : memref<2x128x128xf32, #tpu.memory_space<vmem>>, vector<16xf32>,
        %parallel_loop3A_436 = tpu.vector_load_idx %arg6[%parallel_loop3A_387, %add3A_132] : memref<64x128xf32, #tpu.memory_space<vmem>>[vector<16xi32>, vector<16xi32>], vector<16xf32>,
        %parallel_loop3A_437 = arith.constant 1 : i32
        %parallel_loop3A_438 = arith.index_cast %parallel_loop3A_437 : i32 to index
        %parallel_loop3A_439 = arith.index_cast %parallel_loop3A_381 : i32 to index
        %parallel_loop3A_440 = arith.constant 64 : index
        %parallel_loop3A_441 = tpu.vector_load %arg8[%parallel_loop3A_438, %parallel_loop3A_439, %parallel_loop3A_440] {strides = array<i32>} : memref<2x128x128xf32, #tpu.memory_space<vmem>>, vector<16xf32>,
        %parallel_loop3A_442 = arith.mulf %parallel_loop3A_436, %parallel_loop3A_441 : vector<16xf32>
        %parallel_loop3A_443 = arith.constant 1 : i32
        %parallel_loop3A_444 = arith.index_cast %parallel_loop3A_443 : i32 to index
        %parallel_loop3A_445 = arith.index_cast %parallel_loop3A_381 : i32 to index
        %parallel_loop3A_446 = arith.constant 64 : index
        %parallel_loop3A_447 = tpu.vector_load %arg9[%parallel_loop3A_444, %parallel_loop3A_445, %parallel_loop3A_446] {strides = array<i32>} : memref<2x128x128xf32, #tpu.memory_space<vmem>>, vector<16xf32>,
        tpu.vector_store %arg9[%parallel_loop3A_444, %parallel_loop3A_445, %parallel_loop3A_446], %parallel_loop3A_442 {strides = array<i32>} : memref<2x128x128xf32, #tpu.memory_space<vmem>>, vector<16xf32>,
        %parallel_loop3A_448 = tpu.vector_load_idx %arg6[%parallel_loop3A_387, %add3A_136] : memref<64x128xf32, #tpu.memory_space<vmem>>[vector<16xi32>, vector<16xi32>], vector<16xf32>,
        %parallel_loop3A_449 = arith.constant 1 : i32
        %parallel_loop3A_450 = arith.index_cast %parallel_loop3A_449 : i32 to index
        %parallel_loop3A_451 = arith.index_cast %parallel_loop3A_381 : i32 to index
        %parallel_loop3A_452 = arith.constant 80 : index
        %parallel_loop3A_453 = tpu.vector_load %arg8[%parallel_loop3A_450, %parallel_loop3A_451, %parallel_loop3A_452] {strides = array<i32>} : memref<2x128x128xf32, #tpu.memory_space<vmem>>, vector<16xf32>,
        %parallel_loop3A_454 = arith.mulf %parallel_loop3A_448, %parallel_loop3A_453 : vector<16xf32>
        %parallel_loop3A_455 = arith.constant 1 : i32
        %parallel_loop3A_456 = arith.index_cast %parallel_loop3A_455 : i32 to index
        %parallel_loop3A_457 = arith.index_cast %parallel_loop3A_381 : i32 to index
        %parallel_loop3A_458 = arith.constant 80 : index
        %parallel_loop3A_459 = tpu.vector_load %arg9[%parallel_loop3A_456, %parallel_loop3A_457, %parallel_loop3A_458] {strides = array<i32>} : memref<2x128x128xf32, #tpu.memory_space<vmem>>, vector<16xf32>,
        tpu.vector_store %arg9[%parallel_loop3A_456, %parallel_loop3A_457, %parallel_loop3A_458], %parallel_loop3A_454 {strides = array<i32>} : memref<2x128x128xf32, #tpu.memory_space<vmem>>, vector<16xf32>,
        %parallel_loop3A_460 = tpu.vector_load_idx %arg6[%parallel_loop3A_387, %add3A_140] : memref<64x128xf32, #tpu.memory_space<vmem>>[vector<16xi32>, vector<16xi32>], vector<16xf32>,
        %parallel_loop3A_461 = arith.constant 1 : i32
        %parallel_loop3A_462 = arith.index_cast %parallel_loop3A_461 : i32 to index
        %parallel_loop3A_463 = arith.index_cast %parallel_loop3A_381 : i32 to index
        %parallel_loop3A_464 = arith.constant 96 : index
        %parallel_loop3A_465 = tpu.vector_load %arg8[%parallel_loop3A_462, %parallel_loop3A_463, %parallel_loop3A_464] {strides = array<i32>} : memref<2x128x128xf32, #tpu.memory_space<vmem>>, vector<16xf32>,
        %parallel_loop3A_466 = arith.mulf %parallel_loop3A_460, %parallel_loop3A_465 : vector<16xf32>
        %parallel_loop3A_467 = arith.constant 1 : i32
        %parallel_loop3A_468 = arith.index_cast %parallel_loop3A_467 : i32 to index
        %parallel_loop3A_469 = arith.index_cast %parallel_loop3A_381 : i32 to index
        %parallel_loop3A_470 = arith.constant 96 : index
        %parallel_loop3A_471 = tpu.vector_load %arg9[%parallel_loop3A_468, %parallel_loop3A_469, %parallel_loop3A_470] {strides = array<i32>} : memref<2x128x128xf32, #tpu.memory_space<vmem>>, vector<16xf32>,
        tpu.vector_store %arg9[%parallel_loop3A_468, %parallel_loop3A_469, %parallel_loop3A_470], %parallel_loop3A_466 {strides = array<i32>} : memref<2x128x128xf32, #tpu.memory_space<vmem>>, vector<16xf32>,
        %parallel_loop3A_472 = tpu.vector_load_idx %arg6[%parallel_loop3A_387, %add3A_144] : memref<64x128xf32, #tpu.memory_space<vmem>>[vector<16xi32>, vector<16xi32>], vector<16xf32>,
        %parallel_loop3A_473 = arith.constant 1 : i32
        %parallel_loop3A_474 = arith.index_cast %parallel_loop3A_473 : i32 to index
        %parallel_loop3A_475 = arith.index_cast %parallel_loop3A_381 : i32 to index
        %parallel_loop3A_476 = arith.constant 112 : index
        %parallel_loop3A_477 = tpu.vector_load %arg8[%parallel_loop3A_474, %parallel_loop3A_475, %parallel_loop3A_476] {strides = array<i32>} : memref<2x128x128xf32, #tpu.memory_space<vmem>>, vector<16xf32>,
        %parallel_loop3A_478 = arith.mulf %parallel_loop3A_472, %parallel_loop3A_477 : vector<16xf32>
        %parallel_loop3A_479 = arith.constant 1 : i32
        %parallel_loop3A_480 = arith.index_cast %parallel_loop3A_479 : i32 to index
        %parallel_loop3A_481 = arith.index_cast %parallel_loop3A_381 : i32 to index
        %parallel_loop3A_482 = arith.constant 112 : index
        %parallel_loop3A_483 = tpu.vector_load %arg9[%parallel_loop3A_480, %parallel_loop3A_481, %parallel_loop3A_482] {strides = array<i32>} : memref<2x128x128xf32, #tpu.memory_space<vmem>>, vector<16xf32>,
        tpu.vector_store %arg9[%parallel_loop3A_480, %parallel_loop3A_481, %parallel_loop3A_482], %parallel_loop3A_478 {strides = array<i32>} : memref<2x128x128xf32, #tpu.memory_space<vmem>>, vector<16xf32>,
      } {sc.loop_unroll_factor = 8 : i64, sc.parallel_access}
      %mul3A_355 = arith.constant 128 : i32
      %mul3A_356 = arith.muli %add3A_284, %mul3A_355 : i32
      %add3A_357 = arith.addi %mul3A_2, %mul3A_356 : i32
      %dma_start3A_358 = arith.constant 1 : i32
      %dma_start3A_359 = arith.constant 1 : i32
      %dma_start3A_360 = arith.constant 0 : i32
      %dma_start3A_361 = arith.constant 0 : i32
      %dma_start3A_362 = tpu.memref_slice %arg9[%dma_start3A_358, %dma_start3A_360, %dma_start3A_361] : memref<2x128x128xf32, #tpu.memory_space<vmem>> -> memref<1x128x128xf32, #tpu.memory_space<vmem>>
      %dma_start3A_363 = tpu.memref_squeeze %dma_start3A_362 : memref<1x128x128xf32, #tpu.memory_space<vmem>> -> memref<128x128xf32, #tpu.memory_space<vmem>>
      %dma_start3A_364 = arith.constant 0 : i32
      %dma_start3A_365 = tpu.memref_slice %arg5[%add3A_357, %dma_start3A_364] : memref<819200x128xf32, #tpu.memory_space<hbm>> -> memref<128x128xf32, #tpu.memory_space<hbm>>
      %dma_start3A_366 = tpu.memref_slice %arg11[%dma_start3A_359] : memref<2x!tpu.dma_semaphore, #tpu.memory_space<semaphore_mem>> -> memref<1x!tpu.dma_semaphore, #tpu.memory_space<semaphore_mem>>
      %dma_start3A_367 = tpu.memref_squeeze %dma_start3A_366 : memref<1x!tpu.dma_semaphore, #tpu.memory_space<semaphore_mem>> -> memref<!tpu.dma_semaphore, #tpu.memory_space<semaphore_mem>>
      %dma_start3A_368 = arith.constant 0 : i32
      %dma_start3A_369 = tpu.memref_slice %arg5[%add3A_357, %dma_start3A_368] : memref<819200x128xf32, #tpu.memory_space<hbm>> -> memref<128x128xf32, #tpu.memory_space<hbm>>
      %dma_start3A_370 = arith.constant 0 : i32
      %dma_start3A_371 = arith.constant 0 : i32
      %dma_start3A_372 = tpu.memref_slice %arg9[%dma_start3A_358, %dma_start3A_370, %dma_start3A_371] : memref<2x128x128xf32, #tpu.memory_space<vmem>> -> memref<1x128x128xf32, #tpu.memory_space<vmem>>
      %dma_start3A_373 = tpu.memref_squeeze %dma_start3A_372 : memref<1x128x128xf32, #tpu.memory_space<vmem>> -> memref<128x128xf32, #tpu.memory_space<vmem>>
      tpu.enqueue_dma source(%dma_start3A_373 : memref<128x128xf32, #tpu.memory_space<vmem>>) target(%dma_start3A_369 : memref<128x128xf32, #tpu.memory_space<hbm>>) target_semaphore(%dma_start3A_367 : memref<!tpu.dma_semaphore, #tpu.memory_space<semaphore_mem>>)
      %add3A_374 = arith.constant 2 : i32
      %add3A_375 = arith.addi %add3A_284, %add3A_374 : i32
      %lt3A_376 = arith.constant 200 : i32
      %lt3A_377 = arith.cmpi slt, %add3A_375, %lt3A_376 : i32
      %convert_element_type3A_378 = arith.extui %lt3A_377 : i1 to i32
      %cond3A_379 = arith.constant 0 : i32
      %cond3A_380 = arith.cmpi ne, %convert_element_type3A_378, %cond3A_379 : i32
      scf.if %cond3A_380 {
        %add3A_381 = arith.constant 2 : i32
        %add3A_382 = arith.addi %add3A_284, %add3A_381 : i32
        %mul3A_383 = arith.constant 128 : i32
        %mul3A_384 = arith.muli %add3A_382, %mul3A_383 : i32
        %add3A_385 = arith.addi %mul3A_2, %mul3A_384 : i32
        %jit3A_386 = arith.constant 128 : i32
        %div3A_387 = arith.divsi %add3A_385, %jit3A_386 : i32
        %sign3A_388 = arith.constant 0 : i32
        %sign3A_389 = arith.cmpi sgt, %add3A_385, %sign3A_388 : i32
        %sign3A_390 = arith.extui %sign3A_389 : i1 to i32
        %sign3A_391 = arith.constant 0 : i32
        %sign3A_392 = arith.cmpi slt, %add3A_385, %sign3A_391 : i32
        %sign3A_393 = arith.extui %sign3A_392 : i1 to i32
        %sign3A_394 = arith.subi %sign3A_390, %sign3A_393 : i32
        %sign3A_395 = arith.constant 0 : i32
        %sign3A_396 = arith.cmpi sgt, %jit3A_386, %sign3A_395 : i32
        %sign3A_397 = arith.extui %sign3A_396 : i1 to i32
        %sign3A_398 = arith.constant 0 : i32
        %sign3A_399 = arith.cmpi slt, %jit3A_386, %sign3A_398 : i32
        %sign3A_400 = arith.extui %sign3A_399 : i1 to i32
        %sign3A_401 = arith.subi %sign3A_397, %sign3A_400 : i32
        %ne3A_402 = arith.cmpi ne, %sign3A_394, %sign3A_401 : i32
        %rem3A_403 = arith.remsi %add3A_385, %jit3A_386 : i32
        %ne3A_404 = arith.constant 0 : i32
        %ne3A_405 = arith.cmpi ne, %rem3A_403, %ne3A_404 : i32
        %and3A_406 = arith.andi %ne3A_402, %ne3A_405 : i1
        %sub3A_407 = arith.constant 1 : i32
        %sub3A_408 = arith.subi %div3A_387, %sub3A_407 : i32
        %select_n3A_409 = arith.select %and3A_406, %sub3A_408, %div3A_387 : i32
        %mul3A_410 = arith.constant 128 : i32
        %mul3A_411 = arith.muli %add3A_382, %mul3A_410 : i32
        %add3A_412 = arith.addi %mul3A_2, %mul3A_411 : i32
        %dma_start3A_413 = arith.constant 1 : i32
        %dma_start3A_414 = arith.constant 1 : i32
        %dma_start3A_415 = arith.constant 0 : i32
        %dma_start3A_416 = tpu.memref_slice %arg7[%dma_start3A_413, %dma_start3A_415] : memref<2x128xi32, #tpu.memory_space<vmem>> -> memref<1x128xi32, #tpu.memory_space<vmem>>
        %dma_start3A_417 = tpu.memref_squeeze %dma_start3A_416 : memref<1x128xi32, #tpu.memory_space<vmem>> -> memref<128xi32, #tpu.memory_space<vmem>>
        %dma_start3A_418 = arith.constant 0 : i32
        %dma_start3A_419 = tpu.memref_slice %arg2[%select_n3A_409, %dma_start3A_418] : memref<6400x128xi32, #tpu.memory_space<hbm>> -> memref<1x128xi32, #tpu.memory_space<hbm>>
        %dma_start3A_420 = tpu.memref_squeeze %dma_start3A_419 : memref<1x128xi32, #tpu.memory_space<hbm>> -> memref<128xi32, #tpu.memory_space<hbm>>
        %dma_start3A_421 = tpu.memref_slice %arg10[%dma_start3A_414] : memref<2x!tpu.dma_semaphore, #tpu.memory_space<semaphore_mem>> -> memref<1x!tpu.dma_semaphore, #tpu.memory_space<semaphore_mem>>
        %dma_start3A_422 = tpu.memref_squeeze %dma_start3A_421 : memref<1x!tpu.dma_semaphore, #tpu.memory_space<semaphore_mem>> -> memref<!tpu.dma_semaphore, #tpu.memory_space<semaphore_mem>>
        %dma_start3A_423 = arith.constant 0 : i32
        %dma_start3A_424 = tpu.memref_slice %arg7[%dma_start3A_413, %dma_start3A_423] : memref<2x128xi32, #tpu.memory_space<vmem>> -> memref<1x128xi32, #tpu.memory_space<vmem>>
        %dma_start3A_425 = tpu.memref_squeeze %dma_start3A_424 : memref<1x128xi32, #tpu.memory_space<vmem>> -> memref<128xi32, #tpu.memory_space<vmem>>
        %dma_start3A_426 = arith.constant 0 : i32
        %dma_start3A_427 = tpu.memref_slice %arg2[%select_n3A_409, %dma_start3A_426] : memref<6400x128xi32, #tpu.memory_space<hbm>> -> memref<1x128xi32, #tpu.memory_space<hbm>>
        %dma_start3A_428 = tpu.memref_squeeze %dma_start3A_427 : memref<1x128xi32, #tpu.memory_space<hbm>> -> memref<128xi32, #tpu.memory_space<hbm>>
        tpu.enqueue_dma source(%dma_start3A_428 : memref<128xi32, #tpu.memory_space<hbm>>) target(%dma_start3A_425 : memref<128xi32, #tpu.memory_space<vmem>>) target_semaphore(%dma_start3A_422 : memref<!tpu.dma_semaphore, #tpu.memory_space<semaphore_mem>>)
        %dma_start3A_429 = arith.constant 1 : i32
        %dma_start3A_430 = arith.constant 1 : i32
        %dma_start3A_431 = arith.constant 0 : i32
        %dma_start3A_432 = arith.constant 0 : i32
        %dma_start3A_433 = tpu.memref_slice %arg8[%dma_start3A_429, %dma_start3A_431, %dma_start3A_432] : memref<2x128x128xf32, #tpu.memory_space<vmem>> -> memref<1x128x128xf32, #tpu.memory_space<vmem>>
        %dma_start3A_434 = tpu.memref_squeeze %dma_start3A_433 : memref<1x128x128xf32, #tpu.memory_space<vmem>> -> memref<128x128xf32, #tpu.memory_space<vmem>>
        %dma_start3A_435 = arith.constant 0 : i32
        %dma_start3A_436 = tpu.memref_slice %arg3[%add3A_412, %dma_start3A_435] : memref<819200x128xf32, #tpu.memory_space<hbm>> -> memref<128x128xf32, #tpu.memory_space<hbm>>
        %dma_start3A_437 = tpu.memref_slice %arg10[%dma_start3A_430] : memref<2x!tpu.dma_semaphore, #tpu.memory_space<semaphore_mem>> -> memref<1x!tpu.dma_semaphore, #tpu.memory_space<semaphore_mem>>
        %dma_start3A_438 = tpu.memref_squeeze %dma_start3A_437 : memref<1x!tpu.dma_semaphore, #tpu.memory_space<semaphore_mem>> -> memref<!tpu.dma_semaphore, #tpu.memory_space<semaphore_mem>>
        %dma_start3A_439 = arith.constant 0 : i32
        %dma_start3A_440 = arith.constant 0 : i32
        %dma_start3A_441 = tpu.memref_slice %arg8[%dma_start3A_429, %dma_start3A_439, %dma_start3A_440] : memref<2x128x128xf32, #tpu.memory_space<vmem>> -> memref<1x128x128xf32, #tpu.memory_space<vmem>>
        %dma_start3A_442 = tpu.memref_squeeze %dma_start3A_441 : memref<1x128x128xf32, #tpu.memory_space<vmem>> -> memref<128x128xf32, #tpu.memory_space<vmem>>
        %dma_start3A_443 = arith.constant 0 : i32
        %dma_start3A_444 = tpu.memref_slice %arg3[%add3A_412, %dma_start3A_443] : memref<819200x128xf32, #tpu.memory_space<hbm>> -> memref<128x128xf32, #tpu.memory_space<hbm>>
        tpu.enqueue_dma source(%dma_start3A_444 : memref<128x128xf32, #tpu.memory_space<hbm>>) target(%dma_start3A_442 : memref<128x128xf32, #tpu.memory_space<vmem>>) target_semaphore(%dma_start3A_438 : memref<!tpu.dma_semaphore, #tpu.memory_space<semaphore_mem>>)
      } else {
      }
    }
    %scan3A_149 = arith.constant 100 : i32
    %add3A_150 = arith.constant 25344 : i32
    %add3A_151 = arith.addi %mul3A_2, %add3A_150 : i32
    %dma_wait3A = arith.constant 0 : i32
    %dma_wait3A_152 = arith.constant 0 : i32
    %dma_wait3A_153 = arith.constant 0 : i32
    %dma_wait3A_154 = arith.constant 0 : i32
    %dma_wait3A_155 = tpu.memref_slice %arg9[%dma_wait3A, %dma_wait3A_153, %dma_wait3A_154] : memref<2x128x128xf32, #tpu.memory_space<vmem>> -> memref<1x128x128xf32, #tpu.memory_space<vmem>>
    %dma_wait3A_156 = tpu.memref_squeeze %dma_wait3A_155 : memref<1x128x128xf32, #tpu.memory_space<vmem>> -> memref<128x128xf32, #tpu.memory_space<vmem>>
    %dma_wait3A_157 = arith.constant 0 : i32
    %dma_wait3A_158 = tpu.memref_slice %arg5[%add3A_151, %dma_wait3A_157] : memref<819200x128xf32, #tpu.memory_space<hbm>> -> memref<128x128xf32, #tpu.memory_space<hbm>>
    %dma_wait3A_159 = tpu.memref_slice %arg11[%dma_wait3A_152] : memref<2x!tpu.dma_semaphore, #tpu.memory_space<semaphore_mem>> -> memref<1x!tpu.dma_semaphore, #tpu.memory_space<semaphore_mem>>
    %dma_wait3A_160 = tpu.memref_squeeze %dma_wait3A_159 : memref<1x!tpu.dma_semaphore, #tpu.memory_space<semaphore_mem>> -> memref<!tpu.dma_semaphore, #tpu.memory_space<semaphore_mem>>
    %dma_wait3A_161 = arith.constant 0 : i32
    %dma_wait3A_162 = tpu.memref_slice %arg5[%add3A_151, %dma_wait3A_161] : memref<819200x128xf32, #tpu.memory_space<hbm>> -> memref<128x128xf32, #tpu.memory_space<hbm>>
    %dma_wait3A_163 = arith.constant 0 : i32
    %dma_wait3A_164 = arith.constant 0 : i32
    %dma_wait3A_165 = tpu.memref_slice %arg9[%dma_wait3A, %dma_wait3A_163, %dma_wait3A_164] : memref<2x128x128xf32, #tpu.memory_space<vmem>> -> memref<1x128x128xf32, #tpu.memory_space<vmem>>
    %dma_wait3A_166 = tpu.memref_squeeze %dma_wait3A_165 : memref<1x128x128xf32, #tpu.memory_space<vmem>> -> memref<128x128xf32, #tpu.memory_space<vmem>>
    tpu.wait_dma2 semaphore(%dma_wait3A_160 : memref<!tpu.dma_semaphore, #tpu.memory_space<semaphore_mem>>) src(%dma_wait3A_166 : memref<128x128xf32, #tpu.memory_space<vmem>>) dst(%dma_wait3A_162 : memref<128x128xf32, #tpu.memory_space<hbm>>)
    %add3A_167 = arith.constant 25472 : i32
    %add3A_168 = arith.addi %mul3A_2, %add3A_167 : i32
    %dma_wait3A_169 = arith.constant 1 : i32
    %dma_wait3A_170 = arith.constant 1 : i32
    %dma_wait3A_171 = arith.constant 0 : i32
    %dma_wait3A_172 = arith.constant 0 : i32
    %dma_wait3A_173 = tpu.memref_slice %arg9[%dma_wait3A_169, %dma_wait3A_171, %dma_wait3A_172] : memref<2x128x128xf32, #tpu.memory_space<vmem>> -> memref<1x128x128xf32, #tpu.memory_space<vmem>>
    %dma_wait3A_174 = tpu.memref_squeeze %dma_wait3A_173 : memref<1x128x128xf32, #tpu.memory_space<vmem>> -> memref<128x128xf32, #tpu.memory_space<vmem>>
    %dma_wait3A_175 = arith.constant 0 : i32
    %dma_wait3A_176 = tpu.memref_slice %arg5[%add3A_168, %dma_wait3A_175] : memref<819200x128xf32, #tpu.memory_space<hbm>> -> memref<128x128xf32, #tpu.memory_space<hbm>>
    %dma_wait3A_177 = tpu.memref_slice %arg11[%dma_wait3A_170] : memref<2x!tpu.dma_semaphore, #tpu.memory_space<semaphore_mem>> -> memref<1x!tpu.dma_semaphore, #tpu.memory_space<semaphore_mem>>
    %dma_wait3A_178 = tpu.memref_squeeze %dma_wait3A_177 : memref<1x!tpu.dma_semaphore, #tpu.memory_space<semaphore_mem>> -> memref<!tpu.dma_semaphore, #tpu.memory_space<semaphore_mem>>
    %dma_wait3A_179 = arith.constant 0 : i32
    %dma_wait3A_180 = tpu.memref_slice %arg5[%add3A_168, %dma_wait3A_179] : memref<819200x128xf32, #tpu.memory_space<hbm>> -> memref<128x128xf32, #tpu.memory_space<hbm>>
    %dma_wait3A_181 = arith.constant 0 : i32
    %dma_wait3A_182 = arith.constant 0 : i32
    %dma_wait3A_183 = tpu.memref_slice %arg9[%dma_wait3A_169, %dma_wait3A_181, %dma_wait3A_182] : memref<2x128x128xf32, #tpu.memory_space<vmem>> -> memref<1x128x128xf32, #tpu.memory_space<vmem>>
    %dma_wait3A_184 = tpu.memref_squeeze %dma_wait3A_183 : memref<1x128x128xf32, #tpu.memory_space<vmem>> -> memref<128x128xf32, #tpu.memory_space<vmem>>
    tpu.wait_dma2 semaphore(%dma_wait3A_178 : memref<!tpu.dma_semaphore, #tpu.memory_space<semaphore_mem>>) src(%dma_wait3A_184 : memref<128x128xf32, #tpu.memory_space<vmem>>) dst(%dma_wait3A_180 : memref<128x128xf32, #tpu.memory_space<hbm>>)
    return
  }
}

</mosaic_0001>

<sc_bundles>
// kernel: kernel.3.cloned.1.call-start
scs
__scs_entry_jumppad:
0x0: {  	(pc) =	sbr.rel $0x88, $3  }
0x1: {  	(tag) =	ssettag $0x0;
	lr =	simm.s32 $0x1  }
0x2: {  	[smem:$0x3F9E] =	sst lr;
	_ =	strace $0xD0000000  }
0x3: {  	_ = 	snop  }
0x4: {  	_ = 	snop  }
0x5: {  	_ = 	snop  }
0x6: {  	_ = 	snop  }
0x7: {  	_ = 	snop  }
__scs_overlays_trampoline_lowered:
0x8: {  	[smem:$0x3FAD] =	sst s0  }
0x9: {  	[smem:$0x3FAE] =	sst s1  }
0xa: {  	[smem:$0x3FAF] =	sst s2  }
0xb: {  	[smem:$0x3FB0] =	sst s3  }
0xc: {  	[smem:$0x3FB1] =	sst s4  }
0xd: {  	[smem:$0x3FB2] =	sst s5  }
0xe: {  	[smem:$0x3FB3] =	sst s6  }
0xf: {  	[smem:$0x3FB4] =	sst s7  }
0x10: {  	[smem:$0x3FB5] =	sst s8  }
0x11: {  	[smem:$0x3FB6] =	sst s9;
	s0 =	simm.s32 @!p0 $0x0  }
0x12: {  	s1 =	sld [smem:$0x3F9C];
	s0 =	simm.s32 @p0 $0x1  }
0x13: {  	[smem:$0x3FB7] =	sst s0;
	s0 =	simm.s32 @!p1 $0x0  }
0x14: {  	s2 =	sld [smem:$0x3F9B];
	s0 =	simm.s32 @p1 $0x1  }
0x15: {  	[smem:$0x3FB8] =	sst s0;
	s0 =	simm.s32 @!p2 $0x0  }
0x16: {  	s3 =	sld [smem:$0x3FDB];
	s0 =	simm.s32 @p2 $0x1  }
0x17: {  	s4 =	simm.s32 $0x1BF5;
	[smem:$0x3FBA] =	sst s0  }
0x18: {  	s0 =	sld [smem:$0x3F9D];
	_ =	swait.ge [sflag:s4], $0x0  }
0x19: {  	s7 =	sld [smem:$0x3F9E]  }
0x1a: {  	s8 =	sadd.s32 $0xFFFFE003, lr  }
0x1b: {  	s9 =	sadd.s32 $0xFFFFFEF7, lr;
	s5 =	simm.s32 $0xFFFFFFFF;
	p2 =	slt.u32 s8, $0xFFFFF086  }
0x1c: {  	p1 =	slt.u32 s9, $0xF7A;
	s5 =	simm.s32 @!p2 $0x0  }
0x1d: {  	s5 =	simm.s32 @p1 $0x1;
	p0 =	seq.s32 s7, s2  }
0x1e: {  	s7 =	smul.u32 @!p0 $0xF7A, s2;
	p2 =	seq.s32 @!p0 s5, $0x0  }
0x1f: {  	s9 =	smul.u32 $0xF7A, s1;
	s8 =	simm.s32 @!p0 $0x1BF5;
	p2 =	por !p2, p0  }
0x20: {  	[sflag:s8] =	ssyncset.s32 @!p0 $0xFFFFF086;
	s6 =	sadd.s32 @!p0 s3, s7;
	s7 =	simm.s32 @!p0 $0x108  }
0x21: {  	s3 =	sadd.s32 s3, s9;
	s6 =	sadd.s32 @!p0 $0x88, s6;
	s7 =	simm.s32 @p2 $0x1082  }
0x22: {  	[simem:s7], [sflag:s8] =	dma.local @!p0 [hbm:s6], $0xF7A  }
0x23: {  	s9 =	sor.u32 $0xD0000000, s2;
	s6 =	simm.s32 $0x108;
	_ =	swait.ge @!p0 [sflag:s8], $0x0  }
0x24: {  	s3 =	sadd.s32 $0x88, s3;
	s6 =	simm.s32 @!p1 $0x1082;
	[sflag:s4] =	ssyncset.s32 $0xFFFFF086  }
0x25: {  	[simem:s6], [sflag:s4] =	dma.local [hbm:s3], $0xF7A  }
0x26: {  	[smem:$0x3F9E] =	sst s1;
	(tag) =	ssettag s2;
	_ =	strace s9  }
0x27: {  	s1 =	sld [smem:$0x3FAE]  }
0x28: {  	s2 =	sld [smem:$0x3FAF]  }
0x29: {  	s4 =	sld [smem:$0x3FB1]  }
0x2a: {  	p0 =	seq.s32 s5, $0x0;
	s5 =	sld [smem:$0x3FB2]  }
0x2b: {  	s6 =	sld [smem:$0x3FB3]  }
0x2c: {  	s7 =	sld [smem:$0x3FB4]  }
0x2d: {  	s3 =	simm.s32 $0x108;
	s8 =	sld [smem:$0x3FB5]  }
0x2e: {  	s3 =	simm.s32 @!p0 $0x1082;
	s9 =	sld [smem:$0x3FB6]  }
0x2f: {  	lr =	sadd.s32 s0, s3;
	s0 =	sld [smem:$0x3FAD]  }
0x30: {  	s3 =	sld [smem:$0x3FB0]  }
0x31: {  	[smem:$0x3FB9] =	sst s10  }
0x32: {  	s10 =	sld [smem:$0x3FB7];
	_ =	sdelay $0x3  }
0x33: {  	p0 =	seq.s32 s10, $0x1;
	s10 =	sld [smem:$0x3FB9];
	_ =	sdelay $0x3  }
0x34: {  	[smem:$0x3FB9] =	sst s10  }
0x35: {  	s10 =	sld [smem:$0x3FB8];
	_ =	sdelay $0x3  }
0x36: {  	p1 =	seq.s32 s10, $0x1;
	s10 =	sld [smem:$0x3FB9];
	_ =	sdelay $0x3  }
0x37: {  	[smem:$0x3FB9] =	sst s10  }
0x38: {  	s10 =	sld [smem:$0x3FBA]  }
0x39: {  	_ = 	snop;
	(pc) =	sbr.ind lr, $3  }
0x3a: {  	_ = 	snop  }
0x3b: {  	_ = 	snop  }
0x3c: {  	p2 =	seq.s32 s10, $0x1;
	s10 =	sld [smem:$0x3FB9]  }
0x3d: {  	_ =	shalt  }
0x3e: {  	_ =	shalt  }
0x3f: {  	_ =	shalt  }
0x40: {  	_ =	shalt  }
0x41: {  	_ =	shalt  }
0x42: {  	_ =	shalt  }
0x43: {  	_ =	shalt  }
0x44: {  	_ =	shalt  }
0x45: {  	_ =	shalt  }
0x46: {  	_ =	shalt  }
0x47: {  	_ =	shalt  }
0x48: {  	_ =	shalt  }
0x49: {  	_ =	shalt  }
0x4a: {  	_ =	shalt  }
0x4b: {  	_ =	shalt  }
0x4c: {  	_ =	shalt  }
0x4d: {  	_ =	shalt  }
0x4e: {  	_ =	shalt  }
0x4f: {  	_ =	shalt  }
0x50: {  	_ =	shalt  }
0x51: {  	_ =	shalt  }
0x52: {  	_ =	shalt  }
0x53: {  	_ =	shalt  }
0x54: {  	_ =	shalt  }
0x55: {  	_ =	shalt  }
0x56: {  	_ =	shalt  }
0x57: {  	_ =	shalt  }
0x58: {  	_ =	shalt  }
0x59: {  	_ =	shalt  }
0x5a: {  	_ =	shalt  }
0x5b: {  	_ =	shalt  }
0x5c: {  	_ =	shalt  }
0x5d: {  	_ =	shalt  }
0x5e: {  	_ =	shalt  }
0x5f: {  	_ =	shalt  }
0x60: {  	_ =	shalt  }
0x61: {  	_ =	shalt  }
0x62: {  	_ =	shalt  }
0x63: {  	_ =	shalt  }
0x64: {  	_ =	shalt  }
0x65: {  	_ =	shalt  }
0x66: {  	_ =	shalt  }
0x67: {  	_ =	shalt  }
0x68: {  	_ =	shalt  }
0x69: {  	_ =	shalt  }
0x6a: {  	_ =	shalt  }
0x6b: {  	_ =	shalt  }
0x6c: {  	_ =	shalt  }
0x6d: {  	_ =	shalt  }
0x6e: {  	_ =	shalt  }
0x6f: {  	_ =	shalt  }
0x70: {  	_ =	shalt  }
0x71: {  	_ =	shalt  }
0x72: {  	_ =	shalt  }
0x73: {  	_ =	shalt  }
0x74: {  	_ =	shalt  }
0x75: {  	_ =	shalt  }
0x76: {  	_ =	shalt  }
0x77: {  	_ =	shalt  }
0x78: {  	_ =	shalt  }
0x79: {  	_ =	shalt  }
0x7a: {  	_ =	shalt  }
0x7b: {  	_ =	shalt  }
0x7c: {  	_ =	shalt  }
0x7d: {  	_ =	shalt  }
0x7e: {  	_ =	shalt  }
0x7f: {  	_ =	shalt  }
0x80: {  	_ =	shalt  }
0x81: {  	_ =	shalt  }
0x82: {  	_ =	shalt  }
0x83: {  	_ =	shalt  }
0x84: {  	_ =	shalt  }
0x85: {  	_ =	shalt  }
0x86: {  	_ =	shalt  }
0x87: {  	_ =	shalt  }
.Lfunc_end0:
.L_simem_size_0:
called_computation_lowered:
.L_overlay_start_0:
0x88: {  	s2 =	sld [smem:$0x3FD9]  }
0x89: {  	s3 =	sld [smem:$0x3FFE];
	_ =	sdelay $0x1  }
0x8a: {  	s1 =	srdreg.scid  }
0x8b: {  	s0 =	sand.u32 $0x1, s1  }
0x8c: {  	s17 =	sshll.u32 s0, $0xA;
	s2 =	sadd.s32 s3, s2  }
0x8d: {  	s2 =	sadd.s32 s2, s17  }
0x8e: {  	[smem:$0x3FC5] =	sst s2  }
0x8f: {  	_ = 	snop  }
0x90: {  	s2 =	sld [smem:$0x3FC8]  }
0x91: {  	s18 =	sld [smem:$0x3FC7]  }
0x92: {  	s4 =	sld [smem:$0x3FD0];
	(tm) =	ssettm $0x1  }
0x93: {  	s5 =	sld [smem:$0x3FFB];
	_ =	sdelay $0x3  }
0x94: {  	_ =	strace s5  }
0x95: {  	s5 =	sld [smem:$0x3FFC];
	_ =	sdelay $0x3  }
0x96: {  	_ =	strace s5  }
0x97: {  	s5 =	sld [smem:$0x3FFD];
	_ =	sdelay $0x3  }
0x98: {  	_ =	strace s5  }
0x99: {  	_ =	strace $0x8FFFFFFF  }
0x9a: {  	s19 =	sld [smem:$0x3FDB];
	_ =	sdelay $0x1  }
0x9b: {  	s6 =	simm.s32 $_scs_section_size  }
0x9c: {  	s7 =	simm.s32 $_size__tile_overlayer_lowered;
	s8 =	simm.s32 $_tile_overlayer_lowered  }
0x9d: {  	s22 =	simm.s32 $0x1BFF;
	s21 =	sshll.u32 s8, $0x1;
	s5 =	sadd.s32 s6, s19  }
0x9e: {  	s9 =	simm.s32 $0x0;
	s20 =	sshll.u32 s7, $0x1;
	s7 =	sadd.s32 s21, s5  }
0x9f: {  	[timem:s9], [sflag:s22] =	dma.local [hbm:s7], s20  }
0xa0: {  	_ =	swait.ge [sflag:s22], s20  }
0xa1: {  	s6 =	ssub.s32 $0x0, s20;
	[sflag:s22] =	ssyncset.done $0x0  }
0xa2: {  	[sflag:s22] =	ssyncadd.s32 s6;
	_ =	sdelay $0x1  }
0xa3: {  	s23 =	simm.s32 $0x1B8B  }
0xa4: {  	_ =	swait.ge [sflag:s23], $0x1  }
0xa5: {  	[sflag:s23] =	ssyncset.done $0x0  }
0xa6: {  	s25 =	simm.s32 $0x1B8E;
	s24 =	sld [smem:$0x3FFE];
	[sflag:s23] =	ssyncadd.s32 $0xFFFFFFFF  }
0xa7: {  	s26 =	simm.s32 $execute0_lowered;
	[smem:$0x3FD2] =	sst s25  }
0xa8: {  	s7 =	sshll.u32 s26, $0x1;
	_ =	strace $0x80000046;
	[dreg:$0x1] =	wrdreg $0xFFFFFFFF  }
0xa9: {  	s28 =	simm.s32 $_size_execute0_lowered;
	s5 =	sadd.s32 s5, s7;
	[dreg:$0x0] =	wrdreg $0x0  }
0xaa: {  	s7 =	sshll.u32 s28, $0x1;
	[dreg:$0x2] =	wrdreg s5  }
0xab: {  	[dreg:$0x3] =	wrdreg s7  }
0xac: {  	[dreg:$0x4] =	wrdreg $0xC0  }
0xad: {  	_ =	task [dreg:s9], $0x5FFFF  }
0xae: {  	[dreg:$0x1] =	wrdreg $0xFFFFFFFF  }
0xaf: {  	[dreg:$0x0] =	wrdreg $0x60  }
0xb0: {  	[dreg:$0x2] =	wrdreg s24  }
0xb1: {  	[dreg:$0x3] =	wrdreg s2  }
0xb2: {  	[dreg:$0x4] =	wrdreg s18  }
0xb3: {  	[dreg:$0x5] =	wrdreg s4  }
0xb4: {  	[dreg:$0x6] =	wrdreg $0x9  }
0xb5: {  	_ =	task.clear_ibuf [dreg:s9], $0x7FFFF;
	_ =	strace $0x90000046  }
0xb6: {  	s29 =	simm.s32 $0x9;
	_ =	strace $0x80000048  }
0xb7: {  	_ =	swait.ge [sflag:s29], $0x1  }
0xb8: {  	[sflag:s29] =	ssyncadd.s32 $0xFFFFFFFF  }
0xb9: {  	_ =	strace $0x90000048  }
0xba: {  	_ =	sfence  }
0xbb: {  	s30 =	sld [smem:$0x0];
	_ =	sdelay $0x2  }
0xbc: {  	s31 =	sshll.u32 s1, $0xD;
	s1 =	sshrl.u32 s1, $0x2  }
0xbd: {  	s3 =	sand.u32 $0x4000, s31;
	s1 =	sadd.s32 s1, s30  }
0xbe: {  	s0 =	sor.u32 s3, s0;
	s1 =	sshll.u32 s1, $0x11  }
0xbf: {  	s0 =	sor.u32 s1, s0  }
0xc0: {  	s0 =	sadd.s32 $0x8F2B, s0  }
0xc1: {  	[sflag:s0] =	ssyncadd.remote.s32 $0x1  }
0xc2: {  	_ =	sfence.sel $0xFFFF  }
0xc3: {  	[dreg:$0x0] =	wrdreg $0xFFFFFFFF;
	(pc) =	sbr.abs _section_cstart, $3  }
0xc4: {  	[dreg:$0x1] =	wrdreg $0xFFFFFFFF  }
0xc5: {  	_ =	task.clear_ibuf [dreg:s9], $0x2FFFF;
	_ =	strace $0x9FFFFFFF  }
0xc6: {  	(tm) =	ssettm $0x7FFFFFFF  }
0xc7: {  	_ =	shalt  }
tec
execute0_lowered:
.L_overlay_start_1:
0x0: {  	(tag) =	ssettag $0x1  }
0x1: {  	s0 =	rddreg [dreg:$0x0]  }
0x2: {  	s1 =	rddreg [dreg:$0x1];
	s2 =	srdreg.scid  }
0x3: {  	s3 =	stileid.u32;
	s4 =	rddreg [dreg:$0x3]  }
0x4: {  	s5 =	simm.s32 $0x0;
	s15 =	simm.s32 $0x5;
	s16 =	simm.s32 $0x2000  }
0x5: {  	s18 =	simm.s32 $0x2080;
	s19 =	simm.s32 $0x6100;
	s20 =	simm.s32 $0x1  }
0x6: {  	s21 =	simm.s32 $0xA100;
	s2 =	sand.u32 $0x1, s2;
	s6 =	sshll.u32 s3, $0x1  }
0x7: {  	s22 =	simm.s32 $0x2;
	s23 =	simm.s32 $0xE100;
	s12 =	sor.u32 s2, s6  }
0x8: {  	s24 =	simm.s32 $0x3;
	s25 =	simm.s32 $0x4;
	s6 =	smul.u32 $0x6400, s12  }
0x9: {  	s26 =	simm.s32 $0x0;
	[smem:$0x7FF] =	sst s5;
	s13 =	smul.u32 $0x64000, s12  }
.Ltmp0:
0xa: {  	s7 =	sadd.s32 $0x400, s0;
	s2 =	ssub.s32 $0x2, s2;
	(pc) =	sbr.rel .LBB2_1-.Ltmp0, $4  }
0xb: {  	v0 =	vlaneseq.u32;
	_ =	strace $0x80000047;
	s30 =	sshrl.u32 s2, $0x1;
	s12 =	smul.u32 $0x320000, s12  }
0xc: {  	v1 =	vor.u32 $0x10, v0;
	s0 =	ssub.s32 s2, s30;
	s8 =	sshrl.u32 s6, $0x3;
	s9 =	sadd.s32 s1, s13  }
0xd: {  	v2 =	vor.u32 $0x20, v0;
	v3 =	vor.u32 $0x30, v0;
	v4 =	vor.u32 $0x40, v0;
	s31 =	sadd.s32 s13, s4;
	s13 =	smax.u32 s0, $0x1;
	s8 =	sadd.s32 s7, s8  }
0xe: {  	v5 =	vor.u32 $0x50, v0;
	v6 =	vor.u32 $0x60, v0;
	v7 =	vor.u32 $0x70, v0;
	s11 =	sadd.s32 $0x800, s9;
	s14 =	sadd.s32 $0x800, s31;
	s10 =	sadd.s32 $0x10, s8  }
.LBB2_8:
0xf: {  	s26 =	sadd.s32 $0x1, s26  }
0x10: {  	_ =	swait.ge [sflag:s24], $0x4000;
	p0 =	sne.s32 s26, s13  }
.Ltmp1:
0x11: {  	[sflag:s24] =	ssyncset.done $0x0;
	(pc) =	sbr.rel @!p0 .LBB2_9-.Ltmp1, $4  }
0x12: {  	[sflag:s24] =	ssyncadd.s32 $0xFFFFC000  }
0x13: {  	_ =	swait.ge [sflag:s25], $0x4000  }
0x14: {  	[sflag:s25] =	ssyncset.done $0x0  }
0x15: {  	[sflag:s25] =	ssyncadd.s32 $0xFFFFC000  }
.LBB2_1:
0x16: {  	s0 =	rddreg [dreg:$0x2]  }
0x17: {  	[tilespmem:s5], [sflag:$0x5] =	stream.linear.gather [hbm4b:s0+s5], $0x2000, $0x38;
	[tilespmem:$0x12100] =	vst v63  }
0x18: {  	_ =	swait.ge [sflag:s15], $0x2000  }
0x19: {  	[sflag:s15] =	ssyncset.done $0x0  }
0x1a: {  	[sflag:s15] =	ssyncadd.s32 $0xFFFFE000  }
0x1b: {  	[tilespmem:s16], [sflag:$0x1] =	stream.linear.gather [hbm4b:s8+s5], $0x80, $0x38;
	[tilespmem:$0x12100] =	vst v63  }
0x1c: {  	s31 =	simm.s32 $0x2100  }
0x1d: {  	[tilespmem:s31], [sflag:$0x1] =	stream.linear.gather [hbm4b:s9+s5], $0x4000, $0x38;
	[tilespmem:$0x12100] =	vst v63  }
0x1e: {  	_ = 	snop  }
0x1f: {  	[tilespmem:s18], [sflag:$0x2] =	stream.linear.gather [hbm4b:s10+s5], $0x80, $0x38;
	[tilespmem:$0x12100] =	vst v63  }
0x20: {  	s28 =	simm.s32 $0x0  }
0x21: {  	[tilespmem:s19], [sflag:$0x2] =	stream.linear.gather [hbm4b:s11+s5], $0x4000, $0x38;
	[tilespmem:$0x12100] =	vst v63  }
.LBB2_2:
0x22: {  	_ =	swait.ge [sflag:s20], $0x80  }
0x23: {  	s0 =	simm.s32 $0x0;
	[sflag:s20] =	ssyncset.done $0x0  }
0x24: {  	s2 =	simm.s32 $0x7;
	s17 =	simm.s32 $0x1;
	v8 =	vmov s0;
	[sflag:s20] =	ssyncadd.s32 $0xFFFFFF80  }
0x25: {  	s3 =	simm.s32 $0x2;
	v9 =	vmov s2;
	v10 =	vmov s17;
	v8 =	vand.u32 $0xFFFFFFF8, v8;
	_ =	swait.ge [sflag:s20], $0x4000  }
0x26: {  	p0 =	seq.s32 s28, $0x0;
	v11 =	vmov s3;
	v10 =	vand.u32 $0xFFFFFFF9, v10;
	v8 =	vbroadcast v8, $0x0;
	[sflag:s20] =	ssyncset.done $0x0  }
0x27: {  	s2 =	simm.s32 @!p0 $0x3;
	v11 =	vand.u32 $0xFFFFFFFA, v11;
	v10 =	vbroadcast v10, $0x0;
	[sflag:s20] =	ssyncadd.s32 $0xFFFFC000  }
0x28: {  	v11 =	vbroadcast v11, $0x0;
	_ =	swait.ge @!p0 [sflag:s2], $0x4000  }
0x29: {  	[sflag:s2] =	ssyncset.done @!p0 $0x0  }
0x2a: {  	[sflag:s2] =	ssyncadd.s32 @!p0 $0xFFFFC000  }
0x2b: {  	v9 =	vld.idx.msk [tilespmem:v9+s16+$0x0], $0xffff  }
0x2c: {  	s17 =	simm.s32 $0x3;
	v8 =	vld.idx.msk [tilespmem:v8+s16+$0x0], $0xffff  }
0x2d: {  	s3 =	simm.s32 $0x4;
	v12 =	vmov s17;
	v10 =	vld.idx.msk [tilespmem:v10+s16+$0x0], $0xffff  }
0x2e: {  	s31 =	simm.s32 $0x2300;
	v13 =	vmov s3;
	s17 =	simm.s32 $0x5;
	v12 =	vand.u32 $0xFFFFFFFB, v12;
	v19 =	vld.idx.msk [tilespmem:v11+s16+$0x0], $0xffff  }
0x2f: {  	s3 =	simm.s32 $0x6;
	v13 =	vand.u32 $0xFFFFFFFC, v13;
	v14 =	vmov s17;
	v12 =	vbroadcast v12, $0x0;
	v27 =	vld [tilespmem:s31+$0x100]  }
0x30: {  	v15 =	vmov s3;
	v13 =	vbroadcast v13, $0x0;
	v14 =	vand.u32 $0xFFFFFFFD, v14;
	v28 =	vld [tilespmem:s31+$0xFFFFFE00]  }
0x31: {  	s17 =	simm.s32 $0x8;
	v15 =	vand.u32 $0xFFFFFFFE, v15;
	v14 =	vbroadcast v14, $0x0;
	v29 =	vld [tilespmem:s31+$0xFFFFFE80]  }
0x32: {  	v16 =	vmov s17;
	v15 =	vbroadcast v15, $0x0;
	s2 =	simm.s32 $0x9;
	v30 =	vld [tilespmem:s31+$0xFFFFFF00]  }
0x33: {  	s3 =	simm.s32 $0xF;
	v16 =	vand.u32 $0xFFFFFFF8, v16;
	v17 =	vmov s2;
	v32 =	vld [tilespmem:s31+$0xFFFFFF80]  }
0x34: {  	v18 =	vmov s3;
	v16 =	vbroadcast v16, $0x0;
	v34 =	vld [tilespmem:s31+$0x0];
	v11 =	vand.u32 $0xFFFFFFF9, v17  }
0x35: {  	v20 =	vld.idx.msk [tilespmem:v12+s16+$0x0], $0xffff;
	v21 =	vbroadcast v11, $0x0  }
0x36: {  	v13 =	vld.idx.msk [tilespmem:v13+s16+$0x0], $0xffff;
	v11 =	vshll.u32 v9, $0x7  }
0x37: {  	v22 =	vld.idx.msk [tilespmem:v14+s16+$0x0], $0xffff;
	v12 =	vshll.u32 v8, $0x7;
	v23 =	vor.u32 v0, v11  }
0x38: {  	v24 =	vld.idx.msk [tilespmem:v15+s16+$0x0], $0xffff;
	v15 =	vshll.u32 v10, $0x7;
	v25 =	vor.u32 v0, v12  }
0x39: {  	v9 =	vld.idx.msk [tilespmem:v18+s16+$0x0], $0xffff;
	v17 =	vshll.u32 v19, $0x7;
	v26 =	vor.u32 v0, v15  }
0x3a: {  	v10 =	vld.idx.msk [tilespmem:v16+s16+$0x0], $0xffff;
	v19 =	vor.u32 v0, v17;
	v14 =	vshll.u32 v20, $0x7  }
0x3b: {  	v20 =	vor.u32 v0, v14;
	v8 =	vld.idx.msk [tilespmem:v21+s16+$0x0], $0xffff  }
0x3c: {  	v16 =	vshll.u32 v13, $0x7;
	v13 =	vshll.u32 v22, $0x7;
	v22 =	vld.idx.msk [tilespmem:v23+s5+$0x0], $0xffff  }
0x3d: {  	v21 =	vor.u32 v0, v16;
	v23 =	vld.idx.msk [tilespmem:v25+s5+$0x0], $0xffff  }
0x3e: {  	v18 =	vshll.u32 v24, $0x7;
	v25 =	vor.u32 v0, v13;
	v24 =	vld.idx.msk [tilespmem:v26+s5+$0x0], $0xffff  }
0x3f: {  	v26 =	vor.u32 v0, v18;
	v19 =	vld.idx.msk [tilespmem:v19+s5+$0x0], $0xffff  }
0x40: {  	v20 =	vld.idx.msk [tilespmem:v20+s5+$0x0], $0xffff  }
0x41: {  	v35 =	vld [tilespmem:s31+$0x80];
	v33 =	vor.u32 v1, v15  }
0x42: {  	v21 =	vld.idx.msk [tilespmem:v21+s5+$0x0], $0xffff  }
0x43: {  	v25 =	vld.idx.msk [tilespmem:v25+s5+$0x0], $0xffff;
	v24 =	vmul.f32 v29, v24  }
0x44: {  	s30 =	simm.s32 $0xA300;
	v39 =	vor.u32 v1, v14;
	v26 =	vld.idx.msk [tilespmem:v26+s5+$0x0], $0xffff;
	v19 =	vmul.f32 v30, v19  }
0x45: {  	v40 =	vor.u32 v1, v16;
	v20 =	vmul.f32 v32, v20;
	[tilespmem:s30+$0xFFFFFE80] =	vst v24  }
0x46: {  	[tilespmem:s30+$0xFFFFFF00] =	vst v19;
	v33 =	vld.idx.msk [tilespmem:v33+s5+$0x0], $0xffff  }
0x47: {  	v19 =	vor.u32 v1, v12;
	v21 =	vmul.f32 v34, v21;
	[tilespmem:s30+$0xFFFFFF80] =	vst v20;
	v43 =	vld [tilespmem:s31+$0xFFFFFF10]  }
0x48: {  	v31 =	vor.u32 v1, v18;
	v23 =	vmul.f32 v28, v23;
	v45 =	vld [tilespmem:s31+$0xFFFFFF90]  }
0x49: {  	[tilespmem:s30+$0x0] =	vst v21;
	v26 =	vmul.f32 v27, v26;
	v20 =	vmul.f32 v35, v25;
	v25 =	vld.idx.msk [tilespmem:v39+s5+$0x0], $0xffff  }
0x4a: {  	v24 =	vor.u32 v1, v13;
	[tilespmem:s30+$0xFFFFFE00] =	vst v23;
	v42 =	vld.idx.msk [tilespmem:v40+s5+$0x0], $0xffff  }
0x4b: {  	[tilespmem:s30+$0x100] =	vst v26;
	v26 =	vld [tilespmem:s31+$0x180]  }
0x4c: {  	v19 =	vld.idx.msk [tilespmem:v19+s5+$0x0], $0xffff  }
0x4d: {  	v27 =	vor.u32 v1, v17;
	v31 =	vld.idx.msk [tilespmem:v31+s5+$0x0], $0xffff  }
0x4e: {  	[tilespmem:s30+$0x80] =	vst v20;
	v41 =	vld [tilespmem:s31+$0x110]  }
0x4f: {  	v20 =	vld.idx.msk [tilespmem:v24+s5+$0x0], $0xffff  }
0x50: {  	v44 =	vor.u32 v1, v11;
	v24 =	vld [tilespmem:s31+$0xFFFFFE90]  }
0x51: {  	v21 =	vor.u32 v2, v18;
	v47 =	vld [tilespmem:s31+$0x90]  }
0x52: {  	v27 =	vld.idx.msk [tilespmem:v27+s5+$0x0], $0xffff;
	v22 =	vmul.f32 v26, v22  }
0x53: {  	v48 =	vor.u32 v2, v15;
	v26 =	vld [tilespmem:s31+$0x10];
	v23 =	vmul.f32 v41, v31  }
0x54: {  	[tilespmem:s30+$0x180] =	vst v22;
	v22 =	vld [tilespmem:s31+$0xFFFFFE10]  }
0x55: {  	v24 =	vmul.f32 v24, v33;
	[tilespmem:s30+$0x110] =	vst v23;
	v30 =	vld.idx.msk [tilespmem:v44+s5+$0x0], $0xffff  }
0x56: {  	v20 =	vmul.f32 v47, v20;
	v21 =	vld.idx.msk [tilespmem:v21+s5+$0x0], $0xffff  }
0x57: {  	v49 =	vor.u32 v2, v14;
	v27 =	vmul.f32 v43, v27;
	[tilespmem:s30+$0xFFFFFE90] =	vst v24;
	v23 =	vld [tilespmem:s31+$0x120]  }
0x58: {  	v50 =	vor.u32 v2, v16;
	v24 =	vmul.f32 v45, v25;
	[tilespmem:s30+$0x90] =	vst v20;
	v52 =	vld.idx.msk [tilespmem:v48+s5+$0x0], $0xffff  }
0x59: {  	v58 =	vld [tilespmem:s31+$0xA0];
	[tilespmem:s30+$0xFFFFFF10] =	vst v27  }
0x5a: {  	v25 =	vor.u32 v2, v13;
	v26 =	vmul.f32 v26, v42;
	[tilespmem:s30+$0xFFFFFF90] =	vst v24;
	v53 =	vld [tilespmem:s31+$0xFFFFFF20]  }
0x5b: {  	v27 =	vor.u32 v2, v12;
	v55 =	vld [tilespmem:s31+$0xFFFFFFA0]  }
0x5c: {  	v19 =	vmul.f32 v22, v19;
	[tilespmem:s30+$0x10] =	vst v26;
	v22 =	vld.idx.msk [tilespmem:v49+s5+$0x0], $0xffff  }
0x5d: {  	v46 =	vor.u32 v3, v18;
	v20 =	vld.idx.msk [tilespmem:v50+s5+$0x0], $0xffff  }
0x5e: {  	v56 =	vld [tilespmem:s31+$0x20]  }
0x5f: {  	v21 =	vmul.f32 v23, v21;
	[tilespmem:s30+$0xFFFFFE10] =	vst v19;
	v19 =	vld.idx.msk [tilespmem:v25+s5+$0x0], $0xffff  }
0x60: {  	v23 =	vor.u32 v2, v17;
	v26 =	vld.idx.msk [tilespmem:v27+s5+$0x0], $0xffff  }
0x61: {  	v60 =	vor.u32 v3, v14;
	[tilespmem:s30+$0x120] =	vst v21;
	v21 =	vld [tilespmem:s31+$0x190]  }
0x62: {  	v32 =	vld.idx.msk [tilespmem:v46+s5+$0x0], $0xffff  }
0x63: {  	v61 =	vor.u32 v3, v16;
	v51 =	vld [tilespmem:s31+$0x130];
	v22 =	vmul.f32 v55, v22  }
0x64: {  	v27 =	vld [tilespmem:s31+$0xFFFFFEA0];
	v20 =	vmul.f32 v56, v20  }
0x65: {  	v23 =	vld.idx.msk [tilespmem:v23+s5+$0x0], $0xffff;
	[tilespmem:s30+$0xFFFFFFA0] =	vst v22  }
0x66: {  	v24 =	vor.u32 v4, v18;
	v19 =	vmul.f32 v58, v19;
	[tilespmem:s30+$0x20] =	vst v20;
	v20 =	vld.idx.msk [tilespmem:v60+s5+$0x0], $0xffff  }
0x67: {  	v38 =	vld [tilespmem:s31+$0xFFFFFFB0];
	v21 =	vmul.f32 v21, v30  }
0x68: {  	[tilespmem:s30+$0xA0] =	vst v19;
	v19 =	vld.idx.msk [tilespmem:v61+s5+$0x0], $0xffff;
	v25 =	vmul.f32 v51, v32  }
0x69: {  	v59 =	vor.u32 v3, v15;
	v39 =	vld [tilespmem:s31+$0x30];
	[tilespmem:s30+$0x190] =	vst v21  }
0x6a: {  	v54 =	vor.u32 v2, v11;
	v21 =	vld [tilespmem:s31+$0xFFFFFE20];
	[tilespmem:s30+$0x130] =	vst v25  }
0x6b: {  	v27 =	vmul.f32 v27, v52;
	v24 =	vld.idx.msk [tilespmem:v24+s5+$0x0], $0xffff  }
0x6c: {  	v42 =	vor.u32 v4, v14;
	v25 =	vld [tilespmem:s31+$0x140]  }
0x6d: {  	[tilespmem:s30+$0xFFFFFEA0] =	vst v27;
	v27 =	vor.u32 v3, v13;
	v40 =	vld [tilespmem:s31+$0xB0];
	v23 =	vmul.f32 v53, v23  }
0x6e: {  	v63 =	vld.idx.msk [tilespmem:v59+s5+$0x0], $0xffff;
	v20 =	vmul.f32 v38, v20  }
0x6f: {  	v57 =	vor.u32 v5, v18;
	v31 =	vld.idx.msk [tilespmem:v54+s5+$0x0], $0xffff;
	[tilespmem:s30+$0xFFFFFF20] =	vst v23;
	v19 =	vmul.f32 v39, v19  }
0x70: {  	v36 =	vld [tilespmem:s31+$0xFFFFFF30];
	[tilespmem:s30+$0xFFFFFFB0] =	vst v20;
	v21 =	vmul.f32 v21, v26  }
0x71: {  	[tilespmem:s30+$0x30] =	vst v19;
	v19 =	vld.idx.msk [tilespmem:v42+s5+$0x0], $0xffff;
	v24 =	vmul.f32 v25, v24  }
0x72: {  	[tilespmem:s30+$0xFFFFFE20] =	vst v21;
	v21 =	vld.idx.msk [tilespmem:v27+s5+$0x0], $0xffff  }
0x73: {  	v25 =	vor.u32 v3, v17;
	[tilespmem:s30+$0x140] =	vst v24;
	v24 =	vld [tilespmem:s31+$0x1A0]  }
0x74: {  	v33 =	vld.idx.msk [tilespmem:v57+s5+$0x0], $0xffff  }
0x75: {  	v23 =	vor.u32 v3, v12;
	v62 =	vld [tilespmem:s31+$0x150]  }
0x76: {  	v43 =	vor.u32 v4, v16;
	v46 =	vld [tilespmem:s31+$0xFFFFFFC0]  }
0x77: {  	v27 =	vld [tilespmem:s31+$0xFFFFFEB0]  }
0x78: {  	v22 =	vld.idx.msk [tilespmem:v25+s5+$0x0], $0xffff;
	v25 =	vor.u32 v6, v18;
	v20 =	vmul.f32 v40, v21  }
0x79: {  	v48 =	vld [tilespmem:s31+$0x40];
	v24 =	vmul.f32 v24, v31  }
0x7a: {  	v41 =	vor.u32 v4, v15;
	v23 =	vld.idx.msk [tilespmem:v23+s5+$0x0], $0xffff;
	[tilespmem:s30+$0xB0] =	vst v20;
	v26 =	vmul.f32 v62, v33  }
0x7b: {  	v20 =	vld.idx.msk [tilespmem:v43+s5+$0x0], $0xffff;
	[tilespmem:s30+$0x1A0] =	vst v24  }
0x7c: {  	v37 =	vor.u32 v3, v11;
	v27 =	vmul.f32 v27, v63;
	v24 =	vld [tilespmem:s31+$0xFFFFFE30];
	[tilespmem:s30+$0x150] =	vst v26  }
0x7d: {  	v25 =	vld.idx.msk [tilespmem:v25+s5+$0x0], $0xffff  }
0x7e: {  	[tilespmem:s30+$0xFFFFFEB0] =	vst v27;
	v22 =	vmul.f32 v36, v22;
	v26 =	vld [tilespmem:s31+$0x160]  }
0x7f: {  	v27 =	vor.u32 v4, v13;
	v45 =	vld.idx.msk [tilespmem:v41+s5+$0x0], $0xffff  }
0x80: {  	v50 =	vld [tilespmem:s31+$0xC0];
	[tilespmem:s30+$0xFFFFFF30] =	vst v22;
	v22 =	vor.u32 v4, v12;
	v20 =	vmul.f32 v48, v20  }
0x81: {  	v29 =	vld.idx.msk [tilespmem:v37+s5+$0x0], $0xffff  }
0x82: {  	v18 =	vor.u32 v7, v18;
	v23 =	vmul.f32 v24, v23;
	v24 =	vld [tilespmem:s31+$0xFFFFFEC0];
	[tilespmem:s30+$0x40] =	vst v20  }
0x83: {  	v55 =	vld [tilespmem:s31+$0x50];
	v25 =	vmul.f32 v26, v25;
	v26 =	vor.u32 v4, v17  }
0x84: {  	[tilespmem:s30+$0xFFFFFE30] =	vst v23;
	v23 =	vld.idx.msk [tilespmem:v27+s5+$0x0], $0xffff  }
0x85: {  	v51 =	vor.u32 v5, v14;
	v22 =	vld.idx.msk [tilespmem:v22+s5+$0x0], $0xffff  }
0x86: {  	v47 =	vor.u32 v5, v15;
	[tilespmem:s30+$0x160] =	vst v25;
	v25 =	vld [tilespmem:s31+$0x1B0]  }
0x87: {  	v19 =	vmul.f32 v46, v19;
	v18 =	vld.idx.msk [tilespmem:v18+s5+$0x0], $0xffff  }
0x88: {  	v24 =	vmul.f32 v24, v45;
	v21 =	vld.idx.msk [tilespmem:v26+s5+$0x0], $0xffff  }
0x89: {  	[tilespmem:s30+$0xFFFFFFC0] =	vst v19;
	v27 =	vor.u32 v4, v11;
	v26 =	vld [tilespmem:s31+$0xFFFFFF40];
	v19 =	vmul.f32 v50, v23  }
0x8a: {  	[tilespmem:s30+$0xFFFFFEC0] =	vst v24;
	v23 =	vld.idx.msk [tilespmem:v51+s5+$0x0], $0xffff  }
0x8b: {  	v24 =	vor.u32 v5, v13;
	v25 =	vmul.f32 v25, v29;
	v29 =	vld.idx.msk [tilespmem:v47+s5+$0x0], $0xffff;
	[tilespmem:s30+$0xC0] =	vst v19  }
0x8c: {  	v49 =	vor.u32 v5, v17;
	v57 =	vld [tilespmem:s31+$0xD0]  }
0x8d: {  	[tilespmem:s30+$0x1B0] =	vst v25;
	v25 =	vld [tilespmem:s31+$0xFFFFFE40]  }
0x8e: {  	v21 =	vmul.f32 v26, v21;
	v26 =	vor.u32 v5, v16;
	v27 =	vld.idx.msk [tilespmem:v27+s5+$0x0], $0xffff  }
0x8f: {  	v52 =	vld [tilespmem:s31+$0x1C0]  }
0x90: {  	v19 =	vld.idx.msk [tilespmem:v24+s5+$0x0], $0xffff;
	[tilespmem:s30+$0xFFFFFF40] =	vst v21;
	v21 =	vor.u32 v5, v12  }
0x91: {  	v53 =	vld.idx.msk [tilespmem:v49+s5+$0x0], $0xffff  }
0x92: {  	v24 =	vld [tilespmem:s31+$0xFFFFFF50];
	v22 =	vmul.f32 v25, v22  }
0x93: {  	v20 =	vld.idx.msk [tilespmem:v26+s5+$0x0], $0xffff  }
0x94: {  	v27 =	vmul.f32 v52, v27;
	[tilespmem:s30+$0xFFFFFE40] =	vst v22;
	v22 =	vld [tilespmem:s31+$0xFFFFFED0]  }
0x95: {  	v25 =	vor.u32 v5, v11;
	v21 =	vld.idx.msk [tilespmem:v21+s5+$0x0], $0xffff  }
0x96: {  	v56 =	vor.u32 v6, v17;
	v19 =	vmul.f32 v57, v19;
	[tilespmem:s30+$0x1C0] =	vst v27;
	v27 =	vld [tilespmem:s31+$0xFFFFFE50]  }
0x97: {  	v26 =	vld [tilespmem:s31+$0xFFFFFFD0];
	v24 =	vmul.f32 v24, v53  }
0x98: {  	v54 =	vor.u32 v6, v15;
	v44 =	vld [tilespmem:s31+$0x170];
	[tilespmem:s30+$0xD0] =	vst v19  }
0x99: {  	v62 =	vld [tilespmem:s31+$0xE0];
	[tilespmem:s30+$0xFFFFFF50] =	vst v24;
	v24 =	vor.u32 v6, v12  }
0x9a: {  	v25 =	vld.idx.msk [tilespmem:v25+s5+$0x0], $0xffff;
	v22 =	vmul.f32 v22, v29  }
0x9b: {  	v58 =	vor.u32 v6, v14;
	v60 =	vld.idx.msk [tilespmem:v56+s5+$0x0], $0xffff;
	v21 =	vmul.f32 v27, v21  }
0x9c: {  	[tilespmem:s30+$0xFFFFFED0] =	vst v22;
	v22 =	vmul.f32 v26, v23;
	v26 =	vld [tilespmem:s31+$0x1D0]  }
0x9d: {  	v23 =	vor.u32 v6, v13;
	v28 =	vld.idx.msk [tilespmem:v54+s5+$0x0], $0xffff;
	[tilespmem:s30+$0xFFFFFE50] =	vst v21  }
0x9e: {  	v21 =	vld.idx.msk [tilespmem:v24+s5+$0x0], $0xffff  }
0x9f: {  	v59 =	vor.u32 v6, v16;
	[tilespmem:s30+$0xFFFFFFD0] =	vst v22;
	v24 =	vld [tilespmem:s31+$0xFFFFFF60]  }
0xa0: {  	v22 =	vld.idx.msk [tilespmem:v58+s5+$0x0], $0xffff  }
0xa1: {  	v20 =	vmul.f32 v55, v20;
	v61 =	vld [tilespmem:s31+$0xFFFFFFE0]  }
0xa2: {  	v27 =	vor.u32 v6, v11;
	v19 =	vld.idx.msk [tilespmem:v23+s5+$0x0], $0xffff  }
0xa3: {  	v17 =	vor.u32 v7, v17;
	[tilespmem:s30+$0x50] =	vst v20;
	v23 =	vld [tilespmem:s31+$0xFFFFFEE0]  }
0xa4: {  	v20 =	vld.idx.msk [tilespmem:v59+s5+$0x0], $0xffff;
	v25 =	vmul.f32 v26, v25  }
0xa5: {  	v26 =	vld [tilespmem:s31+$0x60];
	v24 =	vmul.f32 v24, v60  }
0xa6: {  	v15 =	vor.u32 v7, v15;
	[tilespmem:s30+$0x1D0] =	vst v25;
	v25 =	vld [tilespmem:s31+$0xFFFFFE60];
	v22 =	vmul.f32 v61, v22  }
0xa7: {  	v14 =	vor.u32 v7, v14;
	v27 =	vld.idx.msk [tilespmem:v27+s5+$0x0], $0xffff;
	[tilespmem:s30+$0xFFFFFF60] =	vst v24  }
0xa8: {  	v63 =	vor.u32 v7, v16;
	v23 =	vmul.f32 v23, v28;
	v17 =	vld.idx.msk [tilespmem:v17+s5+$0x0], $0xffff;
	[tilespmem:s30+$0xFFFFFFE0] =	vst v22  }
0xa9: {  	v13 =	vor.u32 v7, v13;
	v24 =	vor.u32 v7, v11;
	v11 =	vld [tilespmem:s31+$0xFFFFFFF0]  }
0xaa: {  	v20 =	vmul.f32 v26, v20;
	[tilespmem:s30+$0xFFFFFEE0] =	vst v23;
	v23 =	vld [tilespmem:s31+$0x1E0]  }
0xab: {  	v19 =	vmul.f32 v62, v19;
	v16 =	vld.idx.msk [tilespmem:v15+s5+$0x0], $0xffff  }
0xac: {  	v12 =	vor.u32 v7, v12;
	[tilespmem:s30+$0x60] =	vst v20;
	v15 =	vld.idx.msk [tilespmem:v14+s5+$0x0], $0xffff  }
0xad: {  	[tilespmem:s30+$0xE0] =	vst v19;
	v14 =	vld.idx.msk [tilespmem:v63+s5+$0x0], $0xffff  }
0xae: {  	s17 =	simm.s32 $0xA;
	v21 =	vmul.f32 v25, v21;
	v13 =	vld.idx.msk [tilespmem:v13+s5+$0x0], $0xffff  }
0xaf: {  	s2 =	simm.s32 $0xB;
	v20 =	vmul.f32 v44, v18;
	v19 =	vmov s17;
	v18 =	vld [tilespmem:s31+$0xFFFFFEF0]  }
0xb0: {  	s3 =	simm.s32 $0xC;
	v22 =	vand.u32 $0xFFFFFFFA, v19;
	v19 =	vld [tilespmem:s31+$0xFFFFFF70];
	[tilespmem:s30+$0xFFFFFE60] =	vst v21;
	v21 =	vmul.f32 v23, v27;
	v23 =	vmov s2  }
0xb1: {  	v25 =	vmov s3;
	s17 =	simm.s32 $0xD;
	[tilespmem:s30+$0x170] =	vst v20;
	v22 =	vbroadcast v22, $0x0;
	v12 =	vld.idx.msk [tilespmem:v12+s5+$0x0], $0xffff;
	v20 =	vand.u32 $0xFFFFFFFB, v23  }
0xb2: {  	s29 =	sshll.u32 s28, $0x8;
	s0 =	simm.s32 $0xE;
	s2 =	simm.s32 $0x10;
	[tilespmem:s30+$0x1E0] =	vst v21;
	v23 =	vbroadcast v20, $0x0;
	v21 =	vand.u32 $0xFFFFFFFC, v25;
	v25 =	vmov s17;
	v20 =	vld [tilespmem:s31+$0x70]  }
.LBB2_3:
0xb3: {  	p1 =	slt.u32 s2, $0x78;
	v21 =	vbroadcast v21, $0x0;
	v25 =	vand.u32 $0xFFFFFFFD, v25;
	v26 =	vmov s0;
	v27 =	vld [tilespmem:s31+$0xF0]  }
0xb4: {  	v25 =	vbroadcast v25, $0x0;
	v26 =	vand.u32 $0xFFFFFFFE, v26;
	v28 =	vld [tilespmem:s31+$0xFFFFFE70];
	v16 =	vmul.f32 v18, v16  }
0xb5: {  	s0 =	sadd.s32 $0x7, s2;
	v18 =	vbroadcast v26, $0x0;
	v17 =	vmul.f32 v19, v17;
	v19 =	vld.idx.msk [tilespmem:v24+s5+$0x0], $0xffff  }
0xb6: {  	s3 =	sadd.s32 $0x1, s2;
	v24 =	vmov s2;
	v26 =	vmov s0;
	[tilespmem:s30+$0xFFFFFEF0] =	vst v16;
	v11 =	vmul.f32 v11, v15;
	v15 =	vld [tilespmem:s31+$0x1F0]  }
0xb7: {  	v16 =	vand.u32 $0xFFFFFFF8, v24;
	v24 =	vmov s3;
	v22 =	vld.idx.msk [tilespmem:v22+s16+$0x0], $0xffff;
	[tilespmem:s30+$0xFFFFFF70] =	vst v17;
	v14 =	vmul.f32 v20, v14  }
0xb8: {  	v16 =	vbroadcast v16, $0x0;
	v17 =	vand.u32 $0xFFFFFFF9, v24;
	v20 =	vld.idx.msk [tilespmem:v23+s16+$0x0], $0xffff;
	[tilespmem:s30+$0xFFFFFFF0] =	vst v11;
	v13 =	vmul.f32 v27, v13  }
0xb9: {  	v17 =	vbroadcast v17, $0x0;
	v21 =	vld.idx.msk [tilespmem:v21+s16+$0x0], $0xffff;
	v23 =	vmul.f32 v28, v12;
	[tilespmem:s30+$0x70] =	vst v14  }
0xba: {  	v11 =	vshll.u32 v9, $0x7;
	v14 =	vld.idx.msk [tilespmem:v25+s16+$0x0], $0xffff;
	[tilespmem:s30+$0xF0] =	vst v13  }
0xbb: {  	v12 =	vshll.u32 v10, $0x7;
	v24 =	vor.u32 v0, v11;
	v18 =	vld.idx.msk [tilespmem:v18+s16+$0x0], $0xffff;
	[tilespmem:s30+$0xFFFFFE70] =	vst v23;
	v10 =	vmul.f32 v15, v19  }
0xbc: {  	v13 =	vshll.u32 v8, $0x7;
	v19 =	vor.u32 v0, v12  }
0xbd: {  	v23 =	vor.u32 v0, v13;
	v15 =	vshll.u32 v22, $0x7;
	v9 =	vld.idx.msk [tilespmem:v26+s16+$0x0], $0xffff;
	[tilespmem:s30+$0x1F0] =	vst v10  }
0xbe: {  	v22 =	vor.u32 v0, v15;
	v10 =	vld.idx.msk [tilespmem:v16+s16+$0x0], $0xffff;
	v16 =	vshll.u32 v20, $0x7  }
0xbf: {  	v8 =	vld.idx.msk [tilespmem:v17+s16+$0x0], $0xffff;
	v20 =	vor.u32 v0, v16;
	v17 =	vshll.u32 v21, $0x7  }
0xc0: {  	v14 =	vshll.u32 v14, $0x7;
	v21 =	vor.u32 v0, v17;
	v24 =	vld.idx.msk [tilespmem:v24+s5+$0x0], $0xffff  }
0xc1: {  	v25 =	vor.u32 v0, v14;
	v18 =	vshll.u32 v18, $0x7;
	v19 =	vld.idx.msk [tilespmem:v19+s5+$0x0], $0xffff  }
0xc2: {  	v26 =	vor.u32 v0, v18;
	v23 =	vld.idx.msk [tilespmem:v23+s5+$0x0], $0xffff  }
0xc3: {  	v22 =	vld.idx.msk [tilespmem:v22+s5+$0x0], $0xffff  }
0xc4: {  	v20 =	vld.idx.msk [tilespmem:v20+s5+$0x0], $0xffff  }
0xc5: {  	v21 =	vld.idx.msk [tilespmem:v21+s5+$0x0], $0xffff  }
0xc6: {  	v25 =	vld.idx.msk [tilespmem:v25+s5+$0x0], $0xffff  }
0xc7: {  	s31 =	sadd.s32 $0x400, s31;
	v26 =	vld.idx.msk [tilespmem:v26+s5+$0x0], $0xffff  }
0xc8: {  	v27 =	vld [tilespmem:s31+$0x100]  }
0xc9: {  	v28 =	vld [tilespmem:s31+$0xFFFFFE00]  }
0xca: {  	v29 =	vld [tilespmem:s31+$0xFFFFFE80]  }
0xcb: {  	v31 =	vor.u32 v1, v18;
	v30 =	vld [tilespmem:s31+$0xFFFFFF00]  }
0xcc: {  	v32 =	vld [tilespmem:s31+$0xFFFFFF80]  }
0xcd: {  	v33 =	vor.u32 v1, v13;
	v34 =	vld [tilespmem:s31+$0x0];
	v26 =	vmul.f32 v27, v26  }
0xce: {  	s30 =	sadd.s32 $0x400, s30;
	v27 =	vor.u32 v1, v15;
	v19 =	vmul.f32 v28, v19;
	v28 =	vld [tilespmem:s31+$0x80]  }
0xcf: {  	v23 =	vmul.f32 v29, v23;
	v29 =	vor.u32 v1, v16;
	[tilespmem:s30+$0x100] =	vst v26;
	v26 =	vld [tilespmem:s31+$0x180]  }
0xd0: {  	[tilespmem:s30+$0xFFFFFE00] =	vst v19;
	v19 =	vmul.f32 v30, v22;
	v22 =	vor.u32 v1, v17;
	v30 =	vld.idx.msk [tilespmem:v31+s5+$0x0], $0xffff  }
0xd1: {  	[tilespmem:s30+$0xFFFFFE80] =	vst v23;
	v20 =	vmul.f32 v32, v20;
	v23 =	vor.u32 v1, v14;
	v31 =	vld [tilespmem:s31+$0x110]  }
0xd2: {  	v32 =	vor.u32 v1, v12;
	v33 =	vld.idx.msk [tilespmem:v33+s5+$0x0], $0xffff;
	[tilespmem:s30+$0xFFFFFF00] =	vst v19;
	v19 =	vmul.f32 v34, v21  }
0xd3: {  	v21 =	vld.idx.msk [tilespmem:v27+s5+$0x0], $0xffff;
	[tilespmem:s30+$0xFFFFFF80] =	vst v20;
	v20 =	vmul.f32 v28, v25  }
0xd4: {  	v25 =	vld.idx.msk [tilespmem:v29+s5+$0x0], $0xffff;
	[tilespmem:s30+$0x0] =	vst v19;
	v19 =	vor.u32 v2, v18;
	v24 =	vmul.f32 v26, v24  }
0xd5: {  	v22 =	vld.idx.msk [tilespmem:v22+s5+$0x0], $0xffff;
	[tilespmem:s30+$0x80] =	vst v20  }
0xd6: {  	v20 =	vld.idx.msk [tilespmem:v23+s5+$0x0], $0xffff;
	v23 =	vmul.f32 v31, v30;
	[tilespmem:s30+$0x180] =	vst v24  }
0xd7: {  	v24 =	vld.idx.msk [tilespmem:v32+s5+$0x0], $0xffff  }
0xd8: {  	v26 =	vld [tilespmem:s31+$0xFFFFFE90];
	[tilespmem:s30+$0x110] =	vst v23  }
0xd9: {  	v19 =	vld.idx.msk [tilespmem:v19+s5+$0x0], $0xffff  }
0xda: {  	v23 =	vld [tilespmem:s31+$0x120]  }
0xdb: {  	v28 =	vor.u32 v1, v11;
	v27 =	vld [tilespmem:s31+$0xFFFFFF10]  }
0xdc: {  	v29 =	vld [tilespmem:s31+$0xFFFFFF90]  }
0xdd: {  	v31 =	vor.u32 v3, v18;
	v26 =	vmul.f32 v26, v33;
	v30 =	vld [tilespmem:s31+$0x10]  }
0xde: {  	v32 =	vld [tilespmem:s31+$0x90]  }
0xdf: {  	v33 =	vld [tilespmem:s31+$0xFFFFFE10];
	[tilespmem:s30+$0xFFFFFE90] =	vst v26;
	v26 =	vor.u32 v2, v13;
	v19 =	vmul.f32 v23, v19  }
0xe0: {  	v23 =	vor.u32 v2, v15;
	v21 =	vmul.f32 v27, v21;
	v27 =	vld.idx.msk [tilespmem:v28+s5+$0x0], $0xffff  }
0xe1: {  	v28 =	vor.u32 v2, v16;
	v25 =	vmul.f32 v29, v25;
	[tilespmem:s30+$0x120] =	vst v19;
	v19 =	vld [tilespmem:s31+$0x190]  }
0xe2: {  	[tilespmem:s30+$0xFFFFFF10] =	vst v21;
	v21 =	vmul.f32 v30, v22;
	v22 =	vor.u32 v2, v17;
	v29 =	vld.idx.msk [tilespmem:v31+s5+$0x0], $0xffff  }
0xe3: {  	[tilespmem:s30+$0xFFFFFF90] =	vst v25;
	v20 =	vmul.f32 v32, v20;
	v25 =	vor.u32 v2, v14;
	v30 =	vld [tilespmem:s31+$0x130]  }
0xe4: {  	v31 =	vor.u32 v2, v12;
	v24 =	vmul.f32 v33, v24;
	v26 =	vld.idx.msk [tilespmem:v26+s5+$0x0], $0xffff;
	[tilespmem:s30+$0x10] =	vst v21  }
0xe5: {  	v21 =	vld.idx.msk [tilespmem:v23+s5+$0x0], $0xffff;
	[tilespmem:s30+$0x90] =	vst v20  }
0xe6: {  	v23 =	vor.u32 v4, v18;
	[tilespmem:s30+$0xFFFFFE10] =	vst v24;
	v20 =	vld.idx.msk [tilespmem:v28+s5+$0x0], $0xffff;
	v19 =	vmul.f32 v19, v27  }
0xe7: {  	v22 =	vld.idx.msk [tilespmem:v22+s5+$0x0], $0xffff  }
0xe8: {  	v24 =	vld.idx.msk [tilespmem:v25+s5+$0x0], $0xffff;
	v25 =	vmul.f32 v30, v29;
	[tilespmem:s30+$0x190] =	vst v19  }
0xe9: {  	v19 =	vld.idx.msk [tilespmem:v31+s5+$0x0], $0xffff  }
0xea: {  	v27 =	vld [tilespmem:s31+$0xFFFFFEA0];
	[tilespmem:s30+$0x130] =	vst v25  }
0xeb: {  	v23 =	vld.idx.msk [tilespmem:v23+s5+$0x0], $0xffff  }
0xec: {  	v25 =	vld [tilespmem:s31+$0x140]  }
0xed: {  	v29 =	vor.u32 v2, v11;
	v28 =	vld [tilespmem:s31+$0xFFFFFF20]  }
0xee: {  	v30 =	vld [tilespmem:s31+$0xFFFFFFA0]  }
0xef: {  	v31 =	vor.u32 v5, v18;
	v26 =	vmul.f32 v27, v26;
	v27 =	vld [tilespmem:s31+$0x20]  }
0xf0: {  	v32 =	vld [tilespmem:s31+$0xA0]  }
0xf1: {  	v33 =	vld [tilespmem:s31+$0xFFFFFE20];
	[tilespmem:s30+$0xFFFFFEA0] =	vst v26;
	v26 =	vor.u32 v3, v13;
	v23 =	vmul.f32 v25, v23  }
0xf2: {  	v25 =	vor.u32 v3, v15;
	v21 =	vmul.f32 v28, v21;
	v28 =	vld.idx.msk [tilespmem:v29+s5+$0x0], $0xffff  }
0xf3: {  	v29 =	vor.u32 v3, v16;
	v20 =	vmul.f32 v30, v20;
	[tilespmem:s30+$0x140] =	vst v23;
	v23 =	vld [tilespmem:s31+$0x1A0]  }
0xf4: {  	[tilespmem:s30+$0xFFFFFF20] =	vst v21;
	v21 =	vmul.f32 v27, v22;
	v22 =	vor.u32 v3, v17;
	v27 =	vld.idx.msk [tilespmem:v31+s5+$0x0], $0xffff  }
0xf5: {  	[tilespmem:s30+$0xFFFFFFA0] =	vst v20;
	v20 =	vmul.f32 v32, v24;
	v24 =	vor.u32 v3, v14;
	v30 =	vld [tilespmem:s31+$0x150]  }
0xf6: {  	v31 =	vor.u32 v3, v12;
	v19 =	vmul.f32 v33, v19;
	v26 =	vld.idx.msk [tilespmem:v26+s5+$0x0], $0xffff;
	[tilespmem:s30+$0x20] =	vst v21  }
0xf7: {  	v21 =	vld.idx.msk [tilespmem:v25+s5+$0x0], $0xffff;
	[tilespmem:s30+$0xA0] =	vst v20  }
0xf8: {  	v20 =	vor.u32 v6, v18;
	[tilespmem:s30+$0xFFFFFE20] =	vst v19;
	v19 =	vld.idx.msk [tilespmem:v29+s5+$0x0], $0xffff;
	v23 =	vmul.f32 v23, v28  }
0xf9: {  	v22 =	vld.idx.msk [tilespmem:v22+s5+$0x0], $0xffff  }
0xfa: {  	v24 =	vld.idx.msk [tilespmem:v24+s5+$0x0], $0xffff;
	v25 =	vmul.f32 v30, v27;
	[tilespmem:s30+$0x1A0] =	vst v23  }
0xfb: {  	v23 =	vld.idx.msk [tilespmem:v31+s5+$0x0], $0xffff  }
0xfc: {  	v27 =	vld [tilespmem:s31+$0xFFFFFEB0];
	[tilespmem:s30+$0x150] =	vst v25  }
0xfd: {  	v20 =	vld.idx.msk [tilespmem:v20+s5+$0x0], $0xffff  }
0xfe: {  	v25 =	vld [tilespmem:s31+$0x160]  }
0xff: {  	v29 =	vor.u32 v3, v11;
	v28 =	vld [tilespmem:s31+$0xFFFFFF30]  }
0x100: {  	v30 =	vld [tilespmem:s31+$0xFFFFFFB0]  }
0x101: {  	v18 =	vor.u32 v7, v18;
	v26 =	vmul.f32 v27, v26;
	v27 =	vld [tilespmem:s31+$0x30]  }
0x102: {  	v31 =	vld [tilespmem:s31+$0xB0]  }
0x103: {  	v32 =	vld [tilespmem:s31+$0xFFFFFE30];
	[tilespmem:s30+$0xFFFFFEB0] =	vst v26;
	v26 =	vor.u32 v4, v13;
	v20 =	vmul.f32 v25, v20  }
0x104: {  	v25 =	vor.u32 v4, v15;
	v21 =	vmul.f32 v28, v21;
	v28 =	vld.idx.msk [tilespmem:v29+s5+$0x0], $0xffff  }
0x105: {  	v29 =	vor.u32 v4, v16;
	v19 =	vmul.f32 v30, v19;
	[tilespmem:s30+$0x160] =	vst v20;
	v20 =	vld [tilespmem:s31+$0x1B0]  }
0x106: {  	[tilespmem:s30+$0xFFFFFF30] =	vst v21;
	v21 =	vmul.f32 v27, v22;
	v22 =	vor.u32 v4, v17;
	v18 =	vld.idx.msk [tilespmem:v18+s5+$0x0], $0xffff  }
0x107: {  	[tilespmem:s30+$0xFFFFFFB0] =	vst v19;
	v19 =	vmul.f32 v31, v24;
	v24 =	vor.u32 v4, v14;
	v27 =	vld [tilespmem:s31+$0x170]  }
0x108: {  	v30 =	vor.u32 v4, v12;
	v23 =	vmul.f32 v32, v23;
	v26 =	vld.idx.msk [tilespmem:v26+s5+$0x0], $0xffff;
	[tilespmem:s30+$0x30] =	vst v21  }
0x109: {  	v21 =	vld.idx.msk [tilespmem:v25+s5+$0x0], $0xffff;
	[tilespmem:s30+$0xB0] =	vst v19  }
0x10a: {  	[tilespmem:s30+$0xFFFFFE30] =	vst v23;
	v19 =	vld.idx.msk [tilespmem:v29+s5+$0x0], $0xffff;
	v20 =	vmul.f32 v20, v28  }
0x10b: {  	v22 =	vld.idx.msk [tilespmem:v22+s5+$0x0], $0xffff  }
0x10c: {  	v23 =	vld.idx.msk [tilespmem:v24+s5+$0x0], $0xffff;
	v18 =	vmul.f32 v27, v18;
	[tilespmem:s30+$0x1B0] =	vst v20  }
0x10d: {  	v20 =	vld.idx.msk [tilespmem:v30+s5+$0x0], $0xffff  }
0x10e: {  	v24 =	vld [tilespmem:s31+$0xFFFFFEC0];
	[tilespmem:s30+$0x170] =	vst v18  }
0x10f: {  	v25 =	vor.u32 v4, v11;
	v18 =	vld [tilespmem:s31+$0xFFFFFF40]  }
0x110: {  	v27 =	vld [tilespmem:s31+$0xFFFFFFC0]  }
0x111: {  	v28 =	vor.u32 v5, v13;
	v29 =	vld [tilespmem:s31+$0x40]  }
0x112: {  	v30 =	vor.u32 v5, v15;
	v31 =	vld [tilespmem:s31+$0xC0]  }
0x113: {  	v32 =	vld [tilespmem:s31+$0xFFFFFE40];
	v24 =	vmul.f32 v24, v26;
	v26 =	vor.u32 v5, v16  }
0x114: {  	v18 =	vmul.f32 v18, v21;
	v21 =	vor.u32 v5, v17;
	v25 =	vld.idx.msk [tilespmem:v25+s5+$0x0], $0xffff  }
0x115: {  	[tilespmem:s30+$0xFFFFFEC0] =	vst v24;
	v19 =	vmul.f32 v27, v19;
	v24 =	vor.u32 v5, v14;
	v27 =	vld [tilespmem:s31+$0x1C0]  }
0x116: {  	v33 =	vor.u32 v5, v12;
	v28 =	vld.idx.msk [tilespmem:v28+s5+$0x0], $0xffff;
	[tilespmem:s30+$0xFFFFFF40] =	vst v18;
	v18 =	vmul.f32 v29, v22  }
0x117: {  	v22 =	vld.idx.msk [tilespmem:v30+s5+$0x0], $0xffff;
	[tilespmem:s30+$0xFFFFFFC0] =	vst v19;
	v19 =	vmul.f32 v31, v23  }
0x118: {  	v20 =	vmul.f32 v32, v20;
	v23 =	vld.idx.msk [tilespmem:v26+s5+$0x0], $0xffff;
	[tilespmem:s30+$0x40] =	vst v18  }
0x119: {  	v18 =	vld.idx.msk [tilespmem:v21+s5+$0x0], $0xffff;
	[tilespmem:s30+$0xC0] =	vst v19  }
0x11a: {  	[tilespmem:s30+$0xFFFFFE40] =	vst v20;
	v19 =	vld.idx.msk [tilespmem:v24+s5+$0x0], $0xffff;
	v20 =	vmul.f32 v27, v25  }
0x11b: {  	v21 =	vld.idx.msk [tilespmem:v33+s5+$0x0], $0xffff  }
0x11c: {  	v24 =	vld [tilespmem:s31+$0xFFFFFED0];
	[tilespmem:s30+$0x1C0] =	vst v20  }
0x11d: {  	v25 =	vor.u32 v5, v11;
	v20 =	vld [tilespmem:s31+$0xFFFFFF50]  }
0x11e: {  	v26 =	vld [tilespmem:s31+$0xFFFFFFD0]  }
0x11f: {  	v27 =	vor.u32 v6, v13;
	v29 =	vld [tilespmem:s31+$0x50]  }
0x120: {  	v30 =	vor.u32 v6, v15;
	v31 =	vld [tilespmem:s31+$0xD0]  }
0x121: {  	v32 =	vld [tilespmem:s31+$0xFFFFFE50];
	v24 =	vmul.f32 v24, v28;
	v28 =	vor.u32 v6, v16  }
0x122: {  	v20 =	vmul.f32 v20, v22;
	v22 =	vor.u32 v6, v17;
	v25 =	vld.idx.msk [tilespmem:v25+s5+$0x0], $0xffff  }
0x123: {  	[tilespmem:s30+$0xFFFFFED0] =	vst v24;
	v23 =	vmul.f32 v26, v23;
	v24 =	vor.u32 v6, v14;
	v26 =	vld [tilespmem:s31+$0x1D0]  }
0x124: {  	v33 =	vor.u32 v6, v12;
	v27 =	vld.idx.msk [tilespmem:v27+s5+$0x0], $0xffff;
	[tilespmem:s30+$0xFFFFFF50] =	vst v20;
	v18 =	vmul.f32 v29, v18  }
0x125: {  	v20 =	vld.idx.msk [tilespmem:v30+s5+$0x0], $0xffff;
	[tilespmem:s30+$0xFFFFFFD0] =	vst v23;
	v19 =	vmul.f32 v31, v19  }
0x126: {  	v21 =	vmul.f32 v32, v21;
	v23 =	vld.idx.msk [tilespmem:v28+s5+$0x0], $0xffff;
	[tilespmem:s30+$0x50] =	vst v18  }
0x127: {  	v18 =	vld.idx.msk [tilespmem:v22+s5+$0x0], $0xffff;
	[tilespmem:s30+$0xD0] =	vst v19  }
0x128: {  	[tilespmem:s30+$0xFFFFFE50] =	vst v21;
	v19 =	vld.idx.msk [tilespmem:v24+s5+$0x0], $0xffff;
	v21 =	vmul.f32 v26, v25  }
0x129: {  	v22 =	vld.idx.msk [tilespmem:v33+s5+$0x0], $0xffff  }
0x12a: {  	v24 =	vld [tilespmem:s31+$0xFFFFFEE0];
	[tilespmem:s30+$0x1D0] =	vst v21  }
0x12b: {  	v25 =	vor.u32 v6, v11;
	v21 =	vld [tilespmem:s31+$0xFFFFFF60]  }
0x12c: {  	v26 =	vld [tilespmem:s31+$0xFFFFFFE0]  }
0x12d: {  	v13 =	vor.u32 v7, v13;
	v28 =	vld [tilespmem:s31+$0x60]  }
0x12e: {  	v15 =	vor.u32 v7, v15;
	v29 =	vld [tilespmem:s31+$0xE0]  }
0x12f: {  	v30 =	vld [tilespmem:s31+$0xFFFFFE60];
	v24 =	vmul.f32 v24, v27;
	v27 =	vor.u32 v7, v16  }
0x130: {  	v20 =	vmul.f32 v21, v20;
	v21 =	vor.u32 v7, v17;
	v25 =	vld.idx.msk [tilespmem:v25+s5+$0x0], $0xffff  }
0x131: {  	[tilespmem:s30+$0xFFFFFEE0] =	vst v24;
	v23 =	vmul.f32 v26, v23;
	v24 =	vor.u32 v7, v14;
	v26 =	vld [tilespmem:s31+$0x1E0]  }
0x132: {  	v12 =	vor.u32 v7, v12;
	v16 =	vld.idx.msk [tilespmem:v13+s5+$0x0], $0xffff;
	[tilespmem:s30+$0xFFFFFF60] =	vst v20;
	v13 =	vmul.f32 v28, v18  }
0x133: {  	v17 =	vld.idx.msk [tilespmem:v15+s5+$0x0], $0xffff;
	[tilespmem:s30+$0xFFFFFFE0] =	vst v23;
	v18 =	vmul.f32 v29, v19  }
0x134: {  	v19 =	vmul.f32 v30, v22;
	v15 =	vld.idx.msk [tilespmem:v27+s5+$0x0], $0xffff;
	[tilespmem:s30+$0x60] =	vst v13  }
0x135: {  	v14 =	vld.idx.msk [tilespmem:v21+s5+$0x0], $0xffff;
	[tilespmem:s30+$0xE0] =	vst v18  }
0x136: {  	[tilespmem:s30+$0xFFFFFE60] =	vst v19;
	v13 =	vld.idx.msk [tilespmem:v24+s5+$0x0], $0xffff;
	v19 =	vmul.f32 v26, v25  }
.Ltmp2:
0x137: {  	s0 =	sadd.s32 $0x2, s2;
	v12 =	vld.idx.msk [tilespmem:v12+s5+$0x0], $0xffff;
	(pc) =	sbr.rel @p1 .LBB2_3-.Ltmp2, $4  }
0x138: {  	v20 =	vmov s0;
	s0 =	sadd.s32 $0x3, s2;
	v18 =	vld [tilespmem:s31+$0xFFFFFEF0];
	[tilespmem:s30+$0x1E0] =	vst v19  }
0x139: {  	v20 =	vand.u32 $0xFFFFFFFA, v20;
	v21 =	vmov s0;
	s0 =	sadd.s32 $0x4, s2;
	v24 =	vor.u32 v7, v11;
	v19 =	vld [tilespmem:s31+$0xFFFFFF70]  }
0x13a: {  	v22 =	vbroadcast v20, $0x0;
	v20 =	vand.u32 $0xFFFFFFFB, v21;
	v21 =	vmov s0;
	s0 =	sadd.s32 $0x5, s2;
	v11 =	vld [tilespmem:s31+$0xFFFFFFF0]  }
0x13b: {  	v23 =	vbroadcast v20, $0x0;
	v21 =	vand.u32 $0xFFFFFFFC, v21;
	v25 =	vmov s0;
	s0 =	sadd.s32 $0x6, s2;
	s2 =	sadd.s32 $0x8, s2;
	v20 =	vld [tilespmem:s31+$0x70]  }
0x13c: {  	_ =	sdelay $0x3  }
0x13d: {  	v28 =	vld.idx.msk [tilespmem:v22+s16+$0x0], $0xffff  }
0x13e: {  	v22 =	vld [tilespmem:s31+$0xFFFFFE70]  }
0x13f: {  	v26 =	vbroadcast v21, $0x0;
	v21 =	vand.u32 $0xFFFFFFFD, v25;
	v62 =	vmov s0;
	v29 =	vld.idx.msk [tilespmem:v23+s16+$0x0], $0xffff  }
0x140: {  	v27 =	vbroadcast v21, $0x0;
	v21 =	vand.u32 $0xFFFFFFFE, v62;
	v23 =	vshll.u32 v10, $0x7;
	v10 =	vld [tilespmem:s31+$0x1F0]  }
0x141: {  	v25 =	vbroadcast v21, $0x0;
	v21 =	vld [tilespmem:s31+$0xF0];
	s31 =	sadd.s32 $0x400, s31  }
0x142: {  	v38 =	vld [tilespmem:s31+$0x100]  }
0x143: {  	v39 =	vld [tilespmem:s31+$0xFFFFFE00]  }
0x144: {  	v40 =	vld [tilespmem:s31+$0xFFFFFE80]  }
0x145: {  	v41 =	vld [tilespmem:s31+$0xFFFFFF00]  }
0x146: {  	v43 =	vld [tilespmem:s31+$0xFFFFFF80]  }
0x147: {  	v45 =	vld [tilespmem:s31+$0x0]  }
0x148: {  	v34 =	vor.u32 v0, v23;
	v28 =	vshll.u32 v28, $0x7;
	v30 =	vld.idx.msk [tilespmem:v26+s16+$0x0], $0xffff  }
0x149: {  	v36 =	vor.u32 v0, v28;
	v31 =	vld.idx.msk [tilespmem:v27+s16+$0x0], $0xffff  }
0x14a: {  	v46 =	vld [tilespmem:s31+$0x80];
	v26 =	vshll.u32 v8, $0x7  }
0x14b: {  	v9 =	vshll.u32 v9, $0x7;
	v35 =	vor.u32 v0, v26;
	v33 =	vld.idx.msk [tilespmem:v25+s16+$0x0], $0xffff  }
0x14c: {  	v32 =	vor.u32 v0, v9;
	v8 =	vld.idx.msk [tilespmem:v24+s5+$0x0], $0xffff;
	v25 =	vshll.u32 v29, $0x7  }
0x14d: {  	v63 =	vld.idx.msk [tilespmem:v34+s5+$0x0], $0xffff;
	v37 =	vor.u32 v0, v25;
	v27 =	vshll.u32 v30, $0x7  }
0x14e: {  	v36 =	vld.idx.msk [tilespmem:v36+s5+$0x0], $0xffff;
	v30 =	vor.u32 v0, v27;
	v24 =	vshll.u32 v31, $0x7  }
0x14f: {  	v53 =	vld [tilespmem:s31+$0x180];
	v48 =	vor.u32 v0, v24  }
0x150: {  	v58 =	vor.u32 v1, v23;
	v49 =	vld.idx.msk [tilespmem:v35+s5+$0x0], $0xffff;
	v29 =	vshll.u32 v33, $0x7  }
0x151: {  	v31 =	vld.idx.msk [tilespmem:v32+s5+$0x0], $0xffff;
	v50 =	vor.u32 v0, v29  }
0x152: {  	v32 =	vmul.f32 v39, v63;
	v37 =	vld.idx.msk [tilespmem:v37+s5+$0x0], $0xffff  }
0x153: {  	s2 =	sadd.s32 $0x400, s30;
	v44 =	vor.u32 v1, v26;
	v36 =	vmul.f32 v41, v36;
	v30 =	vld.idx.msk [tilespmem:v30+s5+$0x0], $0xffff  }
0x154: {  	[tilespmem:s2+$0xFFFFFE00] =	vst v32;
	v34 =	vld.idx.msk [tilespmem:v48+s5+$0x0], $0xffff  }
0x155: {  	v33 =	vmul.f32 v40, v49;
	[tilespmem:s2+$0xFFFFFF00] =	vst v36;
	v36 =	vld.idx.msk [tilespmem:v58+s5+$0x0], $0xffff  }
0x156: {  	v52 =	vor.u32 v1, v25;
	v35 =	vld.idx.msk [tilespmem:v50+s5+$0x0], $0xffff  }
0x157: {  	v31 =	vmul.f32 v53, v31;
	[tilespmem:s2+$0xFFFFFE80] =	vst v33;
	v48 =	vld [tilespmem:s31+$0xFFFFFF10]  }
0x158: {  	v51 =	vor.u32 v1, v28;
	v55 =	vmul.f32 v43, v37;
	v44 =	vld.idx.msk [tilespmem:v44+s5+$0x0], $0xffff  }
0x159: {  	v54 =	vor.u32 v1, v27;
	[tilespmem:s2+$0x180] =	vst v31;
	v63 =	vld [tilespmem:s31+$0xFFFFFE90]  }
0x15a: {  	v58 =	vld [tilespmem:s31+$0x190];
	[tilespmem:s2+$0xFFFFFF80] =	vst v55  }
0x15b: {  	v56 =	vor.u32 v1, v24;
	v30 =	vmul.f32 v45, v30;
	v60 =	vld.idx.msk [tilespmem:v52+s5+$0x0], $0xffff  }
0x15c: {  	v42 =	vor.u32 v1, v29;
	v50 =	vld [tilespmem:s31+$0xFFFFFF90]  }
0x15d: {  	v59 =	vmul.f32 v46, v34;
	v35 =	vmul.f32 v38, v35;
	v38 =	vld.idx.msk [tilespmem:v51+s5+$0x0], $0xffff;
	[tilespmem:s2+$0x0] =	vst v30  }
0x15e: {  	v39 =	vld.idx.msk [tilespmem:v54+s5+$0x0], $0xffff  }
0x15f: {  	v49 =	vor.u32 v1, v9;
	[tilespmem:s2+$0x80] =	vst v59;
	v51 =	vld [tilespmem:s31+$0x10]  }
0x160: {  	v32 =	vld.idx.msk [tilespmem:v56+s5+$0x0], $0xffff  }
0x161: {  	v55 =	vor.u32 v2, v26;
	[tilespmem:s2+$0x100] =	vst v35;
	v53 =	vld [tilespmem:s31+$0x90]  }
0x162: {  	v42 =	vld.idx.msk [tilespmem:v42+s5+$0x0], $0xffff  }
0x163: {  	v37 =	vmul.f32 v63, v44;
	v57 =	vld [tilespmem:s31+$0x110]  }
0x164: {  	v41 =	vld.idx.msk [tilespmem:v49+s5+$0x0], $0xffff  }
0x165: {  	v54 =	vld [tilespmem:s31+$0xFFFFFE10];
	v59 =	vor.u32 v2, v27;
	[tilespmem:s2+$0xFFFFFE90] =	vst v37;
	v34 =	vmul.f32 v50, v60  }
0x166: {  	v61 =	vor.u32 v2, v29;
	v63 =	vld.idx.msk [tilespmem:v55+s5+$0x0], $0xffff;
	v38 =	vmul.f32 v48, v38  }
0x167: {  	v50 =	vld [tilespmem:s31+$0xFFFFFEA0];
	[tilespmem:s2+$0xFFFFFF90] =	vst v34;
	v35 =	vmul.f32 v51, v39  }
0x168: {  	[tilespmem:s2+$0xFFFFFF10] =	vst v38;
	v32 =	vmul.f32 v53, v32;
	v53 =	vld [tilespmem:s31+$0xFFFFFFA0];
	v62 =	vmul.f32 v57, v42  }
0x169: {  	v57 =	vor.u32 v2, v25;
	[tilespmem:s2+$0x10] =	vst v35;
	v51 =	vld [tilespmem:s31+$0xFFFFFF20]  }
0x16a: {  	v48 =	vld.idx.msk [tilespmem:v59+s5+$0x0], $0xffff;
	[tilespmem:s2+$0x110] =	vst v62  }
0x16b: {  	v62 =	vor.u32 v2, v23;
	v30 =	vld.idx.msk [tilespmem:v61+s5+$0x0], $0xffff  }
0x16c: {  	v56 =	vor.u32 v2, v28;
	v31 =	vmul.f32 v54, v36;
	v33 =	vld [tilespmem:s31+$0x120]  }
0x16d: {  	v60 =	vor.u32 v2, v24;
	v54 =	vld [tilespmem:s31+$0x20]  }
0x16e: {  	[tilespmem:s2+$0xFFFFFE10] =	vst v31;
	v34 =	vld.idx.msk [tilespmem:v57+s5+$0x0], $0xffff  }
0x16f: {  	v52 =	vor.u32 v3, v29;
	v57 =	vld [tilespmem:s31+$0xFFFFFE20]  }
0x170: {  	v38 =	vmul.f32 v50, v63;
	v37 =	vld.idx.msk [tilespmem:v62+s5+$0x0], $0xffff  }
0x171: {  	[tilespmem:s2+$0x90] =	vst v32;
	v30 =	vmul.f32 v33, v30;
	v33 =	vld.idx.msk [tilespmem:v56+s5+$0x0], $0xffff  }
0x172: {  	v31 =	vld.idx.msk [tilespmem:v60+s5+$0x0], $0xffff;
	v60 =	vor.u32 v3, v25;
	[tilespmem:s2+$0xFFFFFEA0] =	vst v38;
	v32 =	vmul.f32 v54, v48  }
0x173: {  	v48 =	vor.u32 v3, v23;
	v54 =	vld [tilespmem:s31+$0xFFFFFEB0];
	[tilespmem:s2+$0x120] =	vst v30;
	v30 =	vmul.f32 v58, v41  }
0x174: {  	[tilespmem:s2+$0x20] =	vst v32;
	v34 =	vmul.f32 v53, v34;
	v43 =	vld.idx.msk [tilespmem:v52+s5+$0x0], $0xffff;
	v52 =	vor.u32 v2, v9  }
0x175: {  	v61 =	vld [tilespmem:s31+$0x130];
	[tilespmem:s2+$0x190] =	vst v30;
	v30 =	vmul.f32 v57, v37  }
0x176: {  	v59 =	vor.u32 v3, v28;
	v56 =	vld [tilespmem:s31+$0xA0];
	[tilespmem:s2+$0xFFFFFFA0] =	vst v34;
	v33 =	vmul.f32 v51, v33  }
0x177: {  	v62 =	vor.u32 v3, v27;
	v32 =	vld.idx.msk [tilespmem:v60+s5+$0x0], $0xffff;
	[tilespmem:s2+$0xFFFFFE20] =	vst v30  }
0x178: {  	[tilespmem:s2+$0xFFFFFF20] =	vst v33;
	v33 =	vld.idx.msk [tilespmem:v48+s5+$0x0], $0xffff  }
0x179: {  	v63 =	vor.u32 v3, v24;
	v42 =	vld.idx.msk [tilespmem:v52+s5+$0x0], $0xffff  }
0x17a: {  	v47 =	vor.u32 v4, v29;
	v49 =	vmul.f32 v61, v43;
	v61 =	vld [tilespmem:s31+$0x1A0]  }
0x17b: {  	v31 =	vmul.f32 v56, v31;
	v50 =	vld.idx.msk [tilespmem:v59+s5+$0x0], $0xffff  }
0x17c: {  	v52 =	vld.idx.msk [tilespmem:v62+s5+$0x0], $0xffff  }
0x17d: {  	[tilespmem:s2+$0xA0] =	vst v31;
	v56 =	vld [tilespmem:s31+$0xFFFFFF30]  }
0x17e: {  	v58 =	vor.u32 v3, v26;
	v37 =	vld.idx.msk [tilespmem:v63+s5+$0x0], $0xffff;
	[tilespmem:s2+$0x130] =	vst v49  }
0x17f: {  	v35 =	vld.idx.msk [tilespmem:v47+s5+$0x0], $0xffff  }
0x180: {  	v63 =	vor.u32 v4, v28;
	v36 =	vld [tilespmem:s31+$0x140]  }
0x181: {  	v59 =	vld [tilespmem:s31+$0x30]  }
0x182: {  	v60 =	vld [tilespmem:s31+$0xB0];
	v34 =	vmul.f32 v56, v50  }
0x183: {  	v55 =	vor.u32 v5, v29;
	v49 =	vld.idx.msk [tilespmem:v58+s5+$0x0], $0xffff  }
0x184: {  	v58 =	vld [tilespmem:s31+$0xFFFFFFB0];
	[tilespmem:s2+$0xFFFFFF30] =	vst v34  }
0x185: {  	v35 =	vmul.f32 v36, v35;
	v36 =	vld.idx.msk [tilespmem:v63+s5+$0x0], $0xffff  }
0x186: {  	v50 =	vor.u32 v4, v27;
	v31 =	vmul.f32 v59, v52;
	v59 =	vld [tilespmem:s31+$0xFFFFFF40]  }
0x187: {  	v57 =	vor.u32 v3, v9;
	[tilespmem:s2+$0x140] =	vst v35;
	v35 =	vmul.f32 v61, v42;
	v61 =	vld [tilespmem:s31+$0xFFFFFE30]  }
0x188: {  	v44 =	vld.idx.msk [tilespmem:v55+s5+$0x0], $0xffff  }
0x189: {  	[tilespmem:s2+$0x30] =	vst v31;
	v47 =	vld [tilespmem:s31+$0x150]  }
0x18a: {  	v63 =	vld [tilespmem:s31+$0x40]  }
0x18b: {  	v62 =	vor.u32 v4, v26;
	v38 =	vmul.f32 v54, v49;
	v56 =	vld.idx.msk [tilespmem:v50+s5+$0x0], $0xffff;
	[tilespmem:s2+$0x1A0] =	vst v35  }
0x18c: {  	v52 =	vor.u32 v4, v23;
	v32 =	vmul.f32 v58, v32;
	v40 =	vld.idx.msk [tilespmem:v57+s5+$0x0], $0xffff  }
0x18d: {  	[tilespmem:s2+$0xFFFFFEB0] =	vst v38;
	v49 =	vld [tilespmem:s31+$0x1B0];
	v33 =	vmul.f32 v61, v33  }
0x18e: {  	v51 =	vor.u32 v6, v29;
	[tilespmem:s2+$0xFFFFFFB0] =	vst v32;
	v58 =	vld [tilespmem:s31+$0xFFFFFEC0];
	v53 =	vmul.f32 v47, v44  }
0x18f: {  	v54 =	vmul.f32 v60, v37;
	v61 =	vld [tilespmem:s31+$0xFFFFFFC0];
	[tilespmem:s2+$0xFFFFFE30] =	vst v33  }
0x190: {  	[tilespmem:s2+$0x150] =	vst v53;
	v53 =	vld.idx.msk [tilespmem:v62+s5+$0x0], $0xffff  }
0x191: {  	v60 =	vor.u32 v4, v9;
	[tilespmem:s2+$0xB0] =	vst v54;
	v34 =	vld.idx.msk [tilespmem:v52+s5+$0x0], $0xffff  }
0x192: {  	v40 =	vmul.f32 v49, v40;
	v49 =	vld [tilespmem:s31+$0xC0]  }
0x193: {  	v52 =	vor.u32 v5, v27;
	v30 =	vld.idx.msk [tilespmem:v51+s5+$0x0], $0xffff  }
0x194: {  	v48 =	vor.u32 v4, v25;
	v55 =	vld [tilespmem:s31+$0x160]  }
0x195: {  	v32 =	vmul.f32 v63, v56;
	v50 =	vld [tilespmem:s31+$0xFFFFFE40];
	v51 =	vor.u32 v4, v24;
	[tilespmem:s2+$0x1B0] =	vst v40  }
0x196: {  	v62 =	vor.u32 v5, v26;
	v38 =	vld.idx.msk [tilespmem:v60+s5+$0x0], $0xffff  }
0x197: {  	[tilespmem:s2+$0x40] =	vst v32;
	v54 =	vld [tilespmem:s31+$0x1C0]  }
0x198: {  	v35 =	vmul.f32 v58, v53;
	v32 =	vld.idx.msk [tilespmem:v52+s5+$0x0], $0xffff  }
0x199: {  	v29 =	vor.u32 v7, v29;
	v30 =	vmul.f32 v55, v30;
	v55 =	vld.idx.msk [tilespmem:v48+s5+$0x0], $0xffff  }
0x19a: {  	v58 =	vmul.f32 v50, v34;
	v57 =	vld.idx.msk [tilespmem:v51+s5+$0x0], $0xffff;
	[tilespmem:s2+$0xFFFFFEC0] =	vst v35  }
0x19b: {  	v48 =	vor.u32 v5, v28;
	v41 =	vld.idx.msk [tilespmem:v62+s5+$0x0], $0xffff  }
0x19c: {  	[tilespmem:s2+$0xFFFFFE40] =	vst v58;
	v60 =	vld [tilespmem:s31+$0xFFFFFED0]  }
0x19d: {  	v36 =	vmul.f32 v59, v36;
	[tilespmem:s2+$0x160] =	vst v30;
	v52 =	vld [tilespmem:s31+$0xFFFFFE50]  }
0x19e: {  	v62 =	vor.u32 v5, v9;
	v29 =	vld.idx.msk [tilespmem:v29+s5+$0x0], $0xffff  }
0x19f: {  	[tilespmem:s2+$0xFFFFFF40] =	vst v36;
	v51 =	vor.u32 v5, v25;
	v30 =	vld [tilespmem:s31+$0x170]  }
0x1a0: {  	v53 =	vor.u32 v5, v24;
	v38 =	vmul.f32 v54, v38;
	v56 =	vld.idx.msk [tilespmem:v48+s5+$0x0], $0xffff  }
0x1a1: {  	v31 =	vmul.f32 v61, v55;
	v61 =	vld [tilespmem:s31+$0xFFFFFF50]  }
0x1a2: {  	[tilespmem:s2+$0x1C0] =	vst v38;
	v57 =	vmul.f32 v49, v57;
	v49 =	vld [tilespmem:s31+$0x50]  }
0x1a3: {  	v55 =	vor.u32 v5, v23;
	[tilespmem:s2+$0xFFFFFFC0] =	vst v31;
	v37 =	vld.idx.msk [tilespmem:v62+s5+$0x0], $0xffff  }
0x1a4: {  	[tilespmem:s2+$0xC0] =	vst v57;
	v59 =	vld.idx.msk [tilespmem:v51+s5+$0x0], $0xffff  }
0x1a5: {  	v48 =	vor.u32 v6, v26;
	v31 =	vld.idx.msk [tilespmem:v53+s5+$0x0], $0xffff  }
0x1a6: {  	v63 =	vld [tilespmem:s31+$0xFFFFFFD0]  }
0x1a7: {  	v50 =	vor.u32 v6, v28;
	v35 =	vmul.f32 v60, v41;
	v51 =	vld [tilespmem:s31+$0xD0]  }
0x1a8: {  	v54 =	vor.u32 v6, v27;
	v33 =	vld.idx.msk [tilespmem:v55+s5+$0x0], $0xffff  }
0x1a9: {  	[tilespmem:s2+$0xFFFFFED0] =	vst v35;
	v36 =	vmul.f32 v61, v56;
	v56 =	vld [tilespmem:s31+$0x1D0]  }
0x1aa: {  	v32 =	vmul.f32 v49, v32;
	v39 =	vld.idx.msk [tilespmem:v48+s5+$0x0], $0xffff  }
0x1ab: {  	v53 =	vor.u32 v6, v25;
	v60 =	vld [tilespmem:s31+$0xFFFFFEE0];
	[tilespmem:s2+$0xFFFFFF50] =	vst v36  }
0x1ac: {  	v55 =	vor.u32 v6, v24;
	[tilespmem:s2+$0x50] =	vst v32;
	v58 =	vld.idx.msk [tilespmem:v50+s5+$0x0], $0xffff  }
0x1ad: {  	v34 =	vmul.f32 v63, v59;
	v32 =	vld.idx.msk [tilespmem:v54+s5+$0x0], $0xffff  }
0x1ae: {  	v31 =	vmul.f32 v51, v31;
	v61 =	vld [tilespmem:s31+$0xFFFFFF60]  }
0x1af: {  	v57 =	vor.u32 v6, v23;
	v45 =	vld [tilespmem:s31+$0x60];
	[tilespmem:s2+$0xFFFFFFD0] =	vst v34  }
0x1b0: {  	[tilespmem:s2+$0xD0] =	vst v31;
	v59 =	vld.idx.msk [tilespmem:v53+s5+$0x0], $0xffff  }
0x1b1: {  	v62 =	vor.u32 v6, v9;
	v33 =	vmul.f32 v52, v33;
	v31 =	vld.idx.msk [tilespmem:v55+s5+$0x0], $0xffff  }
0x1b2: {  	v63 =	vld [tilespmem:s31+$0xFFFFFFE0]  }
0x1b3: {  	v26 =	vor.u32 v7, v26;
	v37 =	vmul.f32 v56, v37;
	v46 =	vld [tilespmem:s31+$0xE0];
	[tilespmem:s2+$0xFFFFFE50] =	vst v33  }
0x1b4: {  	v33 =	vld.idx.msk [tilespmem:v57+s5+$0x0], $0xffff  }
0x1b5: {  	v28 =	vor.u32 v7, v28;
	v35 =	vmul.f32 v60, v39;
	[tilespmem:s2+$0x1D0] =	vst v37;
	v47 =	vld [tilespmem:s31+$0xFFFFFE60]  }
0x1b6: {  	v16 =	vmul.f32 v18, v16;
	v27 =	vor.u32 v7, v27;
	v48 =	vld.idx.msk [tilespmem:v62+s5+$0x0], $0xffff  }
0x1b7: {  	[tilespmem:s2+$0xFFFFFEE0] =	vst v35;
	v34 =	vmul.f32 v61, v58;
	v50 =	vld [tilespmem:s31+$0x1E0]  }
0x1b8: {  	[tilespmem:s30+$0xFFFFFEF0] =	vst v16;
	v32 =	vmul.f32 v45, v32;
	v26 =	vld.idx.msk [tilespmem:v26+s5+$0x0], $0xffff  }
0x1b9: {  	v17 =	vmul.f32 v19, v17;
	v25 =	vor.u32 v7, v25;
	v16 =	vld [tilespmem:s31+$0xFFFFFEF0];
	[tilespmem:s2+$0xFFFFFF60] =	vst v34  }
0x1ba: {  	v11 =	vmul.f32 v11, v15;
	v24 =	vor.u32 v7, v24;
	[tilespmem:s2+$0x60] =	vst v32;
	v28 =	vld.idx.msk [tilespmem:v28+s5+$0x0], $0xffff  }
0x1bb: {  	[tilespmem:s30+$0xFFFFFF70] =	vst v17;
	v49 =	vmul.f32 v63, v59;
	v18 =	vld.idx.msk [tilespmem:v27+s5+$0x0], $0xffff  }
0x1bc: {  	[tilespmem:s30+$0xFFFFFFF0] =	vst v11;
	v11 =	vmul.f32 v21, v13;
	v31 =	vmul.f32 v46, v31;
	v13 =	vld [tilespmem:s31+$0xFFFFFF70]  }
0x1bd: {  	v14 =	vmul.f32 v20, v14;
	v23 =	vor.u32 v7, v23;
	v17 =	vld [tilespmem:s31+$0x70];
	[tilespmem:s2+$0xFFFFFFE0] =	vst v49  }
0x1be: {  	[tilespmem:s2+$0xE0] =	vst v31;
	v25 =	vld.idx.msk [tilespmem:v25+s5+$0x0], $0xffff  }
0x1bf: {  	[tilespmem:s30+$0x70] =	vst v14;
	v9 =	vor.u32 v7, v9;
	v33 =	vmul.f32 v47, v33;
	v19 =	vld.idx.msk [tilespmem:v24+s5+$0x0], $0xffff  }
0x1c0: {  	v12 =	vmul.f32 v22, v12;
	[tilespmem:s30+$0xF0] =	vst v11;
	v14 =	vld [tilespmem:s31+$0xFFFFFFF0]  }
0x1c1: {  	v8 =	vmul.f32 v10, v8;
	v11 =	vmul.f32 v50, v48;
	v10 =	vld [tilespmem:s31+$0xF0];
	[tilespmem:s2+$0xFFFFFE60] =	vst v33  }
0x1c2: {  	[tilespmem:s30+$0xFFFFFE70] =	vst v12;
	v15 =	vld.idx.msk [tilespmem:v23+s5+$0x0], $0xffff  }
0x1c3: {  	v12 =	vmul.f32 v30, v29;
	[tilespmem:s2+$0x1E0] =	vst v11;
	v11 =	vld [tilespmem:s31+$0xFFFFFE70]  }
0x1c4: {  	[tilespmem:s30+$0x1F0] =	vst v8;
	v8 =	vmul.f32 v16, v26;
	v9 =	vld.idx.msk [tilespmem:v9+s5+$0x0], $0xffff  }
0x1c5: {  	[tilespmem:s2+$0x170] =	vst v12;
	v12 =	vmul.f32 v13, v28;
	v13 =	vld [tilespmem:s31+$0x1F0]  }
0x1c6: {  	[tilespmem:s2+$0xFFFFFEF0] =	vst v8;
	v8 =	vmul.f32 v14, v25  }
0x1c7: {  	[tilespmem:s2+$0xFFFFFF70] =	vst v12;
	v12 =	vmul.f32 v17, v18  }
0x1c8: {  	[tilespmem:s2+$0xFFFFFFF0] =	vst v8;
	v8 =	vmul.f32 v10, v19  }
0x1c9: {  	s17 =	sshll.u32 s28, $0xF;
	[tilespmem:s2+$0x70] =	vst v12;
	v10 =	vmul.f32 v11, v15  }
0x1ca: {  	s0 =	sadd.s32 s12, s17;
	[tilespmem:s2+$0xF0] =	vst v8;
	v8 =	vmul.f32 v13, v9  }
0x1cb: {  	s0 =	sshrl.u32 s0, $0x3;
	[tilespmem:s2+$0xFFFFFE70] =	vst v10  }
0x1cc: {  	p1 =	seq.s32 s28, $0x63;
	s0 =	sadd.s32 s4, s0;
	[tilespmem:s2+$0x1F0] =	vst v8  }
0x1cd: {  	[hbm4b:s0+s5] =	stream.linear.scatter [tilespmem:s21], [sflag:$0x3], $0x4000, $0x38;
	[tilespmem:$0x12100] =	vst v63  }
0x1ce: {  	s0 =	sadd.s32 @!p1 $0x100, s29  }
0x1cf: {  	s2 =	sadd.s32 @!p1 s6, s0  }
0x1d0: {  	s0 =	sand.u32 @!p1 $0x300, s0;
	s3 =	sand.u32 @!p1 $0x1FFC00, s2  }
0x1d1: {  	s0 =	sor.u32 @!p1 s0, s3  }
0x1d2: {  	s0 =	sshrl.u32 @!p1 s0, $0x3  }
0x1d3: {  	s30 =	simm.s32 @!p1 $0x2000;
	s3 =	simm.s32 @!p1 $0x0;
	s0 =	sadd.s32 @!p1 s7, s0  }
0x1d4: {  	[tilespmem:s30], [sflag:$0x1] =	stream.linear.gather @!p1 [hbm4b:s0+s3], $0x80, $0x38;
	[tilespmem:$0x12100] =	vst v63  }
0x1d5: {  	s0 =	sshll.u32 @!p1 s2, $0x4  }
0x1d6: {  	s2 =	simm.s32 @!p1 $0x2100;
	s0 =	sadd.s32 @!p1 s1, s0  }
0x1d7: {  	[tilespmem:s2], [sflag:$0x1] =	stream.linear.gather @!p1 [hbm4b:s0+s3], $0x4000, $0x38;
	[tilespmem:$0x12100] =	vst v63  }
0x1d8: {  	_ =	swait.ge [sflag:s22], $0x80  }
0x1d9: {  	s31 =	simm.s32 $0x0;
	[sflag:s22] =	ssyncset.done $0x0  }
0x1da: {  	s17 =	simm.s32 $0x2;
	v8 =	vmov s31;
	s3 =	simm.s32 $0x1;
	[sflag:s22] =	ssyncadd.s32 $0xFFFFFF80  }
0x1db: {  	v11 =	vmov s17;
	v8 =	vand.u32 $0xFFFFFFF8, v8;
	s2 =	simm.s32 $0x7;
	v10 =	vmov s3;
	_ =	swait.ge [sflag:s22], $0x4000  }
0x1dc: {  	s17 =	simm.s32 $0x3;
	v8 =	vbroadcast v8, $0x0;
	v9 =	vmov s2;
	v10 =	vand.u32 $0xFFFFFFF9, v10;
	[sflag:s22] =	ssyncset.done $0x0  }
0x1dd: {  	v11 =	vand.u32 $0xFFFFFFFA, v11;
	v12 =	vmov s17;
	s2 =	simm.s32 @!p0 $0x4;
	s3 =	simm.s32 $0x4;
	v10 =	vbroadcast v10, $0x0;
	[sflag:s22] =	ssyncadd.s32 $0xFFFFC000  }
0x1de: {  	s17 =	simm.s32 $0x5;
	v11 =	vbroadcast v11, $0x0;
	v12 =	vand.u32 $0xFFFFFFFB, v12;
	v13 =	vmov s3;
	_ =	swait.ge @!p0 [sflag:s2], $0x4000  }
0x1df: {  	v14 =	vmov s17;
	v12 =	vbroadcast v12, $0x0;
	v13 =	vand.u32 $0xFFFFFFFC, v13;
	[sflag:s2] =	ssyncset.done @!p0 $0x0  }
0x1e0: {  	v14 =	vand.u32 $0xFFFFFFFD, v14;
	v13 =	vbroadcast v13, $0x0;
	[sflag:s2] =	ssyncadd.s32 @!p0 $0xFFFFC000  }
0x1e1: {  	v14 =	vbroadcast v14, $0x0;
	v9 =	vld.idx.msk [tilespmem:v9+s18+$0x0], $0xffff  }
0x1e2: {  	v8 =	vld.idx.msk [tilespmem:v8+s18+$0x0], $0xffff  }
0x1e3: {  	v17 =	vld.idx.msk [tilespmem:v10+s18+$0x0], $0xffff  }
0x1e4: {  	v19 =	vld.idx.msk [tilespmem:v11+s18+$0x0], $0xffff  }
0x1e5: {  	v22 =	vld.idx.msk [tilespmem:v12+s18+$0x0], $0xffff  }
0x1e6: {  	v13 =	vld.idx.msk [tilespmem:v13+s18+$0x0], $0xffff  }
0x1e7: {  	s30 =	simm.s32 $0x0;
	v51 =	vld.idx.msk [tilespmem:v14+s18+$0x0], $0xffff  }
0x1e8: {  	v58 =	vld [tilespmem:s30+$0x6400]  }
0x1e9: {  	s3 =	simm.s32 $0x6;
	v59 =	vld [tilespmem:s30+$0x6100]  }
0x1ea: {  	s17 =	simm.s32 $0x8;
	v15 =	vmov s3;
	v60 =	vld [tilespmem:s30+$0x6180]  }
0x1eb: {  	v16 =	vmov s17;
	v15 =	vand.u32 $0xFFFFFFFE, v15;
	v61 =	vld [tilespmem:s30+$0x6200]  }
0x1ec: {  	v16 =	vand.u32 $0xFFFFFFF8, v16;
	s3 =	simm.s32 $0x9;
	v15 =	vbroadcast v15, $0x0;
	v63 =	vld [tilespmem:s30+$0x6280]  }
0x1ed: {  	v20 =	vbroadcast v16, $0x0;
	v18 =	vmov s3;
	v41 =	vld [tilespmem:s30+$0x6300]  }
0x1ee: {  	v16 =	vand.u32 $0xFFFFFFF9, v18;
	s2 =	simm.s32 $0xF;
	v43 =	vld [tilespmem:s30+$0x6380]  }
0x1ef: {  	s17 =	simm.s32 $0xA;
	v21 =	vbroadcast v16, $0x0;
	v10 =	vmov s2;
	v45 =	vld [tilespmem:s30+$0x6480]  }
0x1f0: {  	v11 =	vmov s17;
	v47 =	vld [tilespmem:s30+$0x6410]  }
0x1f1: {  	v38 =	vld [tilespmem:s30+$0x6430];
	v11 =	vand.u32 $0xFFFFFFFA, v11  }
0x1f2: {  	v52 =	vld.idx.msk [tilespmem:v15+s18+$0x0], $0xffff;
	v23 =	vbroadcast v11, $0x0  }
0x1f3: {  	v11 =	vld.idx.msk [tilespmem:v20+s18+$0x0], $0xffff;
	v12 =	vshll.u32 v9, $0x7  }
0x1f4: {  	v14 =	vshll.u32 v8, $0x7;
	v10 =	vld.idx.msk [tilespmem:v10+s18+$0x0], $0xffff;
	v53 =	vor.u32 v0, v12  }
0x1f5: {  	v16 =	vshll.u32 v17, $0x7;
	v18 =	vshll.u32 v19, $0x7;
	v9 =	vld.idx.msk [tilespmem:v21+s18+$0x0], $0xffff;
	v54 =	vor.u32 v0, v14  }
0x1f6: {  	v15 =	vshll.u32 v13, $0x7;
	v13 =	vshll.u32 v51, $0x7;
	v51 =	vld [tilespmem:s30+$0x6420];
	v20 =	vor.u32 v0, v16  }
0x1f7: {  	v17 =	vshll.u32 v22, $0x7;
	v21 =	vor.u32 v0, v18;
	v19 =	vshll.u32 v52, $0x7;
	v52 =	vld [tilespmem:s30+$0x6110]  }
0x1f8: {  	v22 =	vor.u32 v0, v17;
	v8 =	vld.idx.msk [tilespmem:v23+s18+$0x0], $0xffff  }
0x1f9: {  	v57 =	vor.u32 v0, v13;
	v55 =	vld.idx.msk [tilespmem:v53+s5+$0x0], $0xffff  }
0x1fa: {  	v56 =	vld.idx.msk [tilespmem:v54+s5+$0x0], $0xffff  }
0x1fb: {  	v20 =	vld.idx.msk [tilespmem:v20+s5+$0x0], $0xffff  }
0x1fc: {  	v25 =	vor.u32 v0, v19;
	v21 =	vld.idx.msk [tilespmem:v21+s5+$0x0], $0xffff  }
0x1fd: {  	v23 =	vor.u32 v0, v15;
	v22 =	vld.idx.msk [tilespmem:v22+s5+$0x0], $0xffff  }
0x1fe: {  	v27 =	vld.idx.msk [tilespmem:v57+s5+$0x0], $0xffff  }
0x1ff: {  	v53 =	vld [tilespmem:s30+$0x6190]  }
0x200: {  	v54 =	vld [tilespmem:s30+$0x6210]  }
0x201: {  	v25 =	vld.idx.msk [tilespmem:v25+s5+$0x0], $0xffff  }
0x202: {  	v40 =	vor.u32 v1, v16;
	v23 =	vld.idx.msk [tilespmem:v23+s5+$0x0], $0xffff  }
0x203: {  	v42 =	vor.u32 v1, v18;
	v26 =	vmul.f32 v59, v56;
	v56 =	vld [tilespmem:s30+$0x6290]  }
0x204: {  	v62 =	vor.u32 v1, v19;
	v20 =	vmul.f32 v60, v20;
	v60 =	vld [tilespmem:s30+$0x6390]  }
0x205: {  	v21 =	vmul.f32 v61, v21;
	v24 =	vmul.f32 v45, v55;
	v45 =	vld [tilespmem:s30+$0x61A0]  }
0x206: {  	v44 =	vor.u32 v1, v17;
	v25 =	vmul.f32 v58, v25;
	v58 =	vld [tilespmem:s30+$0x6310];
	[tilespmem:s30+$0xE180] =	vst v20  }
0x207: {  	v46 =	vor.u32 v1, v15;
	[tilespmem:s30+$0xE200] =	vst v21;
	v34 =	vld.idx.msk [tilespmem:v40+s5+$0x0], $0xffff  }
0x208: {  	v20 =	vmul.f32 v63, v22;
	[tilespmem:s30+$0xE400] =	vst v25;
	v28 =	vld.idx.msk [tilespmem:v42+s5+$0x0], $0xffff  }
0x209: {  	v23 =	vmul.f32 v41, v23;
	v32 =	vld.idx.msk [tilespmem:v62+s5+$0x0], $0xffff  }
0x20a: {  	v22 =	vor.u32 v1, v13;
	[tilespmem:s30+$0xE280] =	vst v20;
	v20 =	vmul.f32 v43, v27;
	v43 =	vld [tilespmem:s30+$0x6440]  }
0x20b: {  	v21 =	vor.u32 v1, v14;
	[tilespmem:s30+$0xE300] =	vst v23;
	v49 =	vld.idx.msk [tilespmem:v44+s5+$0x0], $0xffff  }
0x20c: {  	v50 =	vld.idx.msk [tilespmem:v46+s5+$0x0], $0xffff  }
0x20d: {  	v44 =	vld [tilespmem:s30+$0x6120]  }
0x20e: {  	v48 =	vor.u32 v1, v12;
	v46 =	vld [tilespmem:s30+$0x6220];
	[tilespmem:s30+$0xE380] =	vst v20  }
0x20f: {  	v57 =	vor.u32 v2, v16;
	[tilespmem:s30+$0xE100] =	vst v26;
	v20 =	vld.idx.msk [tilespmem:v22+s5+$0x0], $0xffff  }
0x210: {  	v59 =	vor.u32 v2, v18;
	v21 =	vld.idx.msk [tilespmem:v21+s5+$0x0], $0xffff;
	v27 =	vmul.f32 v53, v34  }
0x211: {  	[tilespmem:s30+$0xE480] =	vst v24;
	v28 =	vmul.f32 v54, v28;
	v54 =	vld [tilespmem:s30+$0x64A0];
	v22 =	vmul.f32 v47, v32  }
0x212: {  	[tilespmem:s30+$0xE190] =	vst v27;
	v25 =	vmul.f32 v58, v50;
	v50 =	vld [tilespmem:s30+$0x6320]  }
0x213: {  	v23 =	vor.u32 v2, v19;
	[tilespmem:s30+$0xE410] =	vst v22;
	v22 =	vld.idx.msk [tilespmem:v48+s5+$0x0], $0xffff  }
0x214: {  	v61 =	vor.u32 v2, v17;
	[tilespmem:s30+$0xE210] =	vst v28;
	v33 =	vld.idx.msk [tilespmem:v57+s5+$0x0], $0xffff  }
0x215: {  	v24 =	vld.idx.msk [tilespmem:v59+s5+$0x0], $0xffff  }
0x216: {  	v63 =	vmul.f32 v56, v49;
	v48 =	vld [tilespmem:s30+$0x62A0]  }
0x217: {  	v37 =	vor.u32 v2, v13;
	v57 =	vld [tilespmem:s30+$0x6450]  }
0x218: {  	v23 =	vld.idx.msk [tilespmem:v23+s5+$0x0], $0xffff;
	[tilespmem:s30+$0xE290] =	vst v63  }
0x219: {  	v20 =	vmul.f32 v60, v20;
	v41 =	vld.idx.msk [tilespmem:v61+s5+$0x0], $0xffff  }
0x21a: {  	v21 =	vmul.f32 v52, v21;
	v52 =	vld [tilespmem:s30+$0x63A0]  }
0x21b: {  	v55 =	vor.u32 v3, v19;
	v63 =	vld [tilespmem:s30+$0x6130];
	[tilespmem:s30+$0xE390] =	vst v20  }
0x21c: {  	v49 =	vor.u32 v3, v16;
	v20 =	vld.idx.msk [tilespmem:v37+s5+$0x0], $0xffff  }
0x21d: {  	v53 =	vor.u32 v3, v17;
	v24 =	vmul.f32 v46, v24;
	v46 =	vld [tilespmem:s30+$0x63B0];
	v23 =	vmul.f32 v51, v23  }
0x21e: {  	v29 =	vmul.f32 v45, v33;
	v26 =	vmul.f32 v48, v41;
	v41 =	vld [tilespmem:s30+$0x6230]  }
0x21f: {  	v51 =	vor.u32 v3, v18;
	[tilespmem:s30+$0xE420] =	vst v23;
	v23 =	vld [tilespmem:s30+$0x6490]  }
0x220: {  	v56 =	vor.u32 v3, v13;
	[tilespmem:s30+$0xE1A0] =	vst v29;
	v31 =	vld.idx.msk [tilespmem:v55+s5+$0x0], $0xffff  }
0x221: {  	v34 =	vld.idx.msk [tilespmem:v49+s5+$0x0], $0xffff;
	[tilespmem:s30+$0xE2A0] =	vst v26  }
0x222: {  	v62 =	vor.u32 v2, v15;
	v20 =	vmul.f32 v52, v20;
	v60 =	vld.idx.msk [tilespmem:v53+s5+$0x0], $0xffff  }
0x223: {  	v42 =	vor.u32 v4, v19;
	[tilespmem:s30+$0xE220] =	vst v24;
	v53 =	vld [tilespmem:s30+$0x61C0]  }
0x224: {  	v27 =	vld.idx.msk [tilespmem:v51+s5+$0x0], $0xffff;
	[tilespmem:s30+$0xE3A0] =	vst v20  }
0x225: {  	v39 =	vor.u32 v2, v14;
	[tilespmem:s30+$0xE110] =	vst v21;
	v20 =	vld.idx.msk [tilespmem:v56+s5+$0x0], $0xffff;
	v21 =	vmul.f32 v38, v31  }
0x226: {  	v40 =	vor.u32 v2, v12;
	[tilespmem:s30+$0xE310] =	vst v25;
	v56 =	vld [tilespmem:s30+$0x62C0]  }
0x227: {  	v22 =	vmul.f32 v23, v22;
	v23 =	vld.idx.msk [tilespmem:v62+s5+$0x0], $0xffff;
	[tilespmem:s30+$0xE430] =	vst v21  }
0x228: {  	v25 =	vld.idx.msk [tilespmem:v42+s5+$0x0], $0xffff  }
0x229: {  	v62 =	vld [tilespmem:s30+$0x6460]  }
0x22a: {  	[tilespmem:s30+$0xE490] =	vst v22;
	v22 =	vld.idx.msk [tilespmem:v39+s5+$0x0], $0xffff  }
0x22b: {  	v47 =	vor.u32 v5, v19;
	v21 =	vld.idx.msk [tilespmem:v40+s5+$0x0], $0xffff  }
0x22c: {  	v40 =	vld [tilespmem:s30+$0x61B0]  }
0x22d: {  	v55 =	vor.u32 v3, v15;
	v27 =	vmul.f32 v41, v27;
	v41 =	vld [tilespmem:s30+$0x61D0];
	v25 =	vmul.f32 v43, v25  }
0x22e: {  	v45 =	vor.u32 v4, v18;
	v42 =	vld [tilespmem:s30+$0x62B0]  }
0x22f: {  	v20 =	vmul.f32 v46, v20;
	v46 =	vld [tilespmem:s30+$0x6350];
	v23 =	vmul.f32 v50, v23;
	[tilespmem:s30+$0xE440] =	vst v25  }
0x230: {  	v58 =	vor.u32 v3, v14;
	v31 =	vld.idx.msk [tilespmem:v47+s5+$0x0], $0xffff  }
0x231: {  	v22 =	vmul.f32 v44, v22;
	[tilespmem:s30+$0xE320] =	vst v23;
	v44 =	vld [tilespmem:s30+$0x6330]  }
0x232: {  	[tilespmem:s30+$0xE230] =	vst v27;
	v61 =	vld.idx.msk [tilespmem:v55+s5+$0x0], $0xffff  }
0x233: {  	v24 =	vld.idx.msk [tilespmem:v45+s5+$0x0], $0xffff;
	v23 =	vor.u32 v6, v19;
	v21 =	vmul.f32 v54, v21  }
0x234: {  	v54 =	vld [tilespmem:s30+$0x6240];
	[tilespmem:s30+$0xE120] =	vst v22  }
0x235: {  	v43 =	vor.u32 v4, v16;
	[tilespmem:s30+$0xE4A0] =	vst v21;
	v21 =	vld.idx.msk [tilespmem:v58+s5+$0x0], $0xffff;
	v22 =	vmul.f32 v57, v31  }
0x236: {  	v58 =	vld [tilespmem:s30+$0x6340]  }
0x237: {  	v48 =	vor.u32 v4, v15;
	v29 =	vmul.f32 v40, v34;
	v25 =	vmul.f32 v44, v61;
	v61 =	vld [tilespmem:s30+$0x64C0];
	[tilespmem:s30+$0xE450] =	vst v22  }
0x238: {  	v23 =	vld.idx.msk [tilespmem:v23+s5+$0x0], $0xffff  }
0x239: {  	v59 =	vor.u32 v3, v12;
	[tilespmem:s30+$0xE1B0] =	vst v29;
	v44 =	vld [tilespmem:s30+$0x62D0]  }
0x23a: {  	v32 =	vld.idx.msk [tilespmem:v43+s5+$0x0], $0xffff  }
0x23b: {  	v43 =	vld [tilespmem:s30+$0x6250];
	[tilespmem:s30+$0xE330] =	vst v25  }
0x23c: {  	v47 =	vor.u32 v4, v17;
	v25 =	vld.idx.msk [tilespmem:v48+s5+$0x0], $0xffff  }
0x23d: {  	v49 =	vor.u32 v4, v13;
	v48 =	vld [tilespmem:s30+$0x63D0];
	v23 =	vmul.f32 v62, v23  }
0x23e: {  	v28 =	vmul.f32 v42, v60;
	v22 =	vld.idx.msk [tilespmem:v59+s5+$0x0], $0xffff  }
0x23f: {  	[tilespmem:s30+$0xE460] =	vst v23;
	v23 =	vld [tilespmem:s30+$0x64B0]  }
0x240: {  	v50 =	vor.u32 v4, v14;
	[tilespmem:s30+$0xE2B0] =	vst v28;
	v21 =	vmul.f32 v63, v21;
	v31 =	vld [tilespmem:s30+$0x6470]  }
0x241: {  	[tilespmem:s30+$0xE3B0] =	vst v20;
	v52 =	vld.idx.msk [tilespmem:v47+s5+$0x0], $0xffff  }
0x242: {  	[tilespmem:s30+$0xE130] =	vst v21;
	v21 =	vld.idx.msk [tilespmem:v49+s5+$0x0], $0xffff;
	v57 =	vor.u32 v5, v16  }
0x243: {  	v59 =	vld [tilespmem:s30+$0x63C0];
	v26 =	vmul.f32 v53, v32  }
0x244: {  	v39 =	vmul.f32 v58, v25;
	v58 =	vld [tilespmem:s30+$0x6360];
	v20 =	vmul.f32 v23, v22  }
0x245: {  	[tilespmem:s30+$0xE1C0] =	vst v26;
	v22 =	vld.idx.msk [tilespmem:v50+s5+$0x0], $0xffff  }
0x246: {  	v60 =	vor.u32 v5, v17;
	[tilespmem:s30+$0xE4B0] =	vst v20;
	v20 =	vld [tilespmem:s30+$0x6140]  }
0x247: {  	v51 =	vor.u32 v4, v12;
	v38 =	vld.idx.msk [tilespmem:v57+s5+$0x0], $0xffff  }
0x248: {  	v27 =	vmul.f32 v56, v52;
	v56 =	vld [tilespmem:s30+$0x6260]  }
0x249: {  	v55 =	vor.u32 v5, v14;
	v57 =	vld [tilespmem:s30+$0x62E0]  }
0x24a: {  	[tilespmem:s30+$0xE2C0] =	vst v27;
	v21 =	vmul.f32 v59, v21;
	v59 =	vld [tilespmem:s30+$0x63E0]  }
0x24b: {  	v37 =	vor.u32 v5, v13;
	v27 =	vld.idx.msk [tilespmem:v60+s5+$0x0], $0xffff;
	v20 =	vmul.f32 v20, v22  }
0x24c: {  	v19 =	vor.u32 v7, v19;
	v23 =	vld.idx.msk [tilespmem:v51+s5+$0x0], $0xffff  }
0x24d: {  	v22 =	vor.u32 v5, v18;
	[tilespmem:s30+$0xE140] =	vst v20;
	v20 =	vld [tilespmem:s30+$0x6150]  }
0x24e: {  	v62 =	vor.u32 v5, v15;
	v63 =	vld.idx.msk [tilespmem:v55+s5+$0x0], $0xffff  }
0x24f: {  	v24 =	vmul.f32 v54, v24;
	v60 =	vld [tilespmem:s30+$0x64E0];
	[tilespmem:s30+$0xE3C0] =	vst v21  }
0x250: {  	v40 =	vor.u32 v5, v12;
	v21 =	vld.idx.msk [tilespmem:v37+s5+$0x0], $0xffff  }
0x251: {  	v42 =	vor.u32 v6, v14;
	[tilespmem:s30+$0xE240] =	vst v24;
	v19 =	vld.idx.msk [tilespmem:v19+s5+$0x0], $0xffff  }
0x252: {  	[tilespmem:s30+$0xE340] =	vst v39;
	v23 =	vmul.f32 v61, v23;
	v22 =	vld.idx.msk [tilespmem:v22+s5+$0x0], $0xffff  }
0x253: {  	v24 =	vld.idx.msk [tilespmem:v62+s5+$0x0], $0xffff;
	v20 =	vmul.f32 v20, v63  }
0x254: {  	v45 =	vor.u32 v6, v16;
	v50 =	vld [tilespmem:s30+$0x64D0];
	[tilespmem:s30+$0xE4C0] =	vst v23  }
0x255: {  	v47 =	vor.u32 v6, v18;
	v23 =	vld.idx.msk [tilespmem:v40+s5+$0x0], $0xffff;
	[tilespmem:s30+$0xE150] =	vst v20;
	v20 =	vmul.f32 v41, v38  }
0x256: {  	v49 =	vor.u32 v6, v17;
	v28 =	vld.idx.msk [tilespmem:v42+s5+$0x0], $0xffff  }
0x257: {  	v51 =	vor.u32 v6, v15;
	v22 =	vmul.f32 v43, v22;
	[tilespmem:s30+$0xE1D0] =	vst v20;
	v20 =	vld [tilespmem:s30+$0x6160]  }
0x258: {  	v52 =	vor.u32 v6, v13;
	v27 =	vmul.f32 v44, v27;
	v55 =	vld [tilespmem:s30+$0x61E0]  }
0x259: {  	v53 =	vor.u32 v6, v12;
	[tilespmem:s30+$0xE250] =	vst v22;
	v22 =	vmul.f32 v46, v24;
	v26 =	vld.idx.msk [tilespmem:v45+s5+$0x0], $0xffff  }
0x25a: {  	v14 =	vor.u32 v7, v14;
	[tilespmem:s30+$0xE2D0] =	vst v27;
	v21 =	vmul.f32 v48, v21;
	v54 =	vld.idx.msk [tilespmem:v47+s5+$0x0], $0xffff  }
0x25b: {  	v25 =	vld.idx.msk [tilespmem:v49+s5+$0x0], $0xffff;
	[tilespmem:s30+$0xE350] =	vst v22;
	v22 =	vmul.f32 v50, v23  }
0x25c: {  	v16 =	vor.u32 v7, v16;
	[tilespmem:s30+$0xE3D0] =	vst v21;
	v23 =	vld.idx.msk [tilespmem:v51+s5+$0x0], $0xffff;
	v20 =	vmul.f32 v20, v28  }
0x25d: {  	v21 =	vld.idx.msk [tilespmem:v52+s5+$0x0], $0xffff;
	v18 =	vor.u32 v7, v18;
	[tilespmem:s30+$0xE4D0] =	vst v22  }
0x25e: {  	v17 =	vor.u32 v7, v17;
	v22 =	vld.idx.msk [tilespmem:v53+s5+$0x0], $0xffff;
	[tilespmem:s30+$0xE160] =	vst v20;
	v20 =	vmul.f32 v55, v26  }
0x25f: {  	v15 =	vor.u32 v7, v15;
	v61 =	vld.idx.msk [tilespmem:v14+s5+$0x0], $0xffff;
	v14 =	vmul.f32 v56, v54  }
0x260: {  	v62 =	vld [tilespmem:s30+$0x6170];
	v63 =	vor.u32 v7, v13;
	[tilespmem:s30+$0xE1E0] =	vst v20;
	v20 =	vmul.f32 v57, v25  }
0x261: {  	v13 =	vld.idx.msk [tilespmem:v16+s5+$0x0], $0xffff;
	[tilespmem:s30+$0xE260] =	vst v14;
	v16 =	vmul.f32 v58, v23;
	v23 =	vor.u32 v7, v12  }
0x262: {  	v14 =	vld.idx.msk [tilespmem:v18+s5+$0x0], $0xffff;
	[tilespmem:s30+$0xE2E0] =	vst v20;
	v18 =	vmul.f32 v59, v21  }
0x263: {  	v12 =	vld.idx.msk [tilespmem:v17+s5+$0x0], $0xffff;
	[tilespmem:s30+$0xE360] =	vst v16;
	v17 =	vmul.f32 v60, v22  }
0x264: {  	s2 =	simm.s32 $0xB;
	v19 =	vmul.f32 v31, v19;
	v15 =	vld.idx.msk [tilespmem:v15+s5+$0x0], $0xffff;
	[tilespmem:s30+$0xE3E0] =	vst v18  }
0x265: {  	s3 =	simm.s32 $0xC;
	v18 =	vmov s2;
	v22 =	vmul.f32 v62, v61;
	v16 =	vld.idx.msk [tilespmem:v63+s5+$0x0], $0xffff;
	[tilespmem:s30+$0xE4E0] =	vst v17  }
0x266: {  	s17 =	simm.s32 $0xD;
	[tilespmem:s30+$0xE470] =	vst v19;
	v19 =	vmov s3;
	v18 =	vand.u32 $0xFFFFFFFB, v18;
	v17 =	vld.idx.msk [tilespmem:v23+s5+$0x0], $0xffff  }
0x267: {  	s0 =	simm.s32 $0xE;
	v19 =	vand.u32 $0xFFFFFFFC, v19;
	v20 =	vmov s17;
	s2 =	simm.s32 $0x10;
	v21 =	vbroadcast v18, $0x0;
	[tilespmem:s30+$0xE170] =	vst v22;
	v18 =	vld [tilespmem:s30+$0x61F0]  }
.LBB2_5:
0x268: {  	p0 =	slt.u32 s2, $0x78;
	v19 =	vbroadcast v19, $0x0;
	v20 =	vand.u32 $0xFFFFFFFD, v20;
	v22 =	vmov s0;
	v23 =	vld [tilespmem:s30+$0x6270]  }
0x269: {  	s0 =	sadd.s32 $0x7, s2;
	v20 =	vbroadcast v20, $0x0;
	v22 =	vand.u32 $0xFFFFFFFE, v22;
	v24 =	vld [tilespmem:s30+$0x62F0]  }
0x26a: {  	v25 =	vmov s2;
	s3 =	sadd.s32 $0x1, s2;
	s17 =	sadd.s32 $0x2, s2;
	v26 =	vmov s0;
	v22 =	vbroadcast v22, $0x0;
	v27 =	vld [tilespmem:s30+$0x6370]  }
0x26b: {  	v25 =	vand.u32 $0xFFFFFFF8, v25;
	v28 =	vmov s3;
	v29 =	vmov s17;
	v30 =	vld [tilespmem:s30+$0x63F0]  }
0x26c: {  	v25 =	vbroadcast v25, $0x0;
	v28 =	vand.u32 $0xFFFFFFF9, v28;
	v13 =	vmul.f32 v18, v13;
	v18 =	vld [tilespmem:s30+$0x64F0]  }
0x26d: {  	v29 =	vand.u32 $0xFFFFFFFA, v29;
	v28 =	vbroadcast v28, $0x0;
	v21 =	vld.idx.msk [tilespmem:v21+s18+$0x0], $0xffff;
	v14 =	vmul.f32 v23, v14  }
0x26e: {  	v23 =	vbroadcast v29, $0x0;
	v19 =	vld.idx.msk [tilespmem:v19+s18+$0x0], $0xffff;
	[tilespmem:s30+$0xE1F0] =	vst v13;
	v24 =	vmul.f32 v24, v12  }
0x26f: {  	v12 =	vshll.u32 v10, $0x7;
	v20 =	vld.idx.msk [tilespmem:v20+s18+$0x0], $0xffff;
	[tilespmem:s30+$0xE270] =	vst v14;
	v15 =	vmul.f32 v27, v15  }
0x270: {  	v13 =	vshll.u32 v11, $0x7;
	v27 =	vor.u32 v0, v12;
	v22 =	vld.idx.msk [tilespmem:v22+s18+$0x0], $0xffff;
	[tilespmem:s30+$0xE2F0] =	vst v24;
	v24 =	vmul.f32 v30, v16  }
0x271: {  	v14 =	vshll.u32 v9, $0x7;
	v10 =	vld.idx.msk [tilespmem:v26+s18+$0x0], $0xffff;
	v26 =	vor.u32 v0, v13;
	[tilespmem:s30+$0xE370] =	vst v15;
	v15 =	vmul.f32 v18, v17  }
0x272: {  	v16 =	vshll.u32 v8, $0x7;
	v11 =	vld.idx.msk [tilespmem:v25+s18+$0x0], $0xffff;
	v25 =	vor.u32 v0, v14;
	[tilespmem:s30+$0xE3F0] =	vst v24  }
0x273: {  	v24 =	vor.u32 v0, v16;
	v17 =	vshll.u32 v21, $0x7;
	v9 =	vld.idx.msk [tilespmem:v28+s18+$0x0], $0xffff;
	[tilespmem:s30+$0xE4F0] =	vst v15  }
0x274: {  	v21 =	vor.u32 v0, v17;
	v18 =	vshll.u32 v19, $0x7;
	v8 =	vld.idx.msk [tilespmem:v23+s18+$0x0], $0xffff  }
0x275: {  	v23 =	vor.u32 v0, v18;
	v15 =	vshll.u32 v20, $0x7;
	v20 =	vld.idx.msk [tilespmem:v27+s5+$0x0], $0xffff  }
0x276: {  	v27 =	vor.u32 v0, v15;
	v19 =	vshll.u32 v22, $0x7;
	v26 =	vld.idx.msk [tilespmem:v26+s5+$0x0], $0xffff  }
0x277: {  	v22 =	vld.idx.msk [tilespmem:v25+s5+$0x0], $0xffff;
	v25 =	vor.u32 v0, v19  }
0x278: {  	v24 =	vld.idx.msk [tilespmem:v24+s5+$0x0], $0xffff  }
0x279: {  	v21 =	vld.idx.msk [tilespmem:v21+s5+$0x0], $0xffff  }
0x27a: {  	v23 =	vld.idx.msk [tilespmem:v23+s5+$0x0], $0xffff  }
0x27b: {  	s31 =	sadd.s32 $0x1000, s31;
	v27 =	vld.idx.msk [tilespmem:v27+s5+$0x0], $0xffff  }
0x27c: {  	s30 =	sshra.s32 s31, $0x2;
	v25 =	vld.idx.msk [tilespmem:v25+s5+$0x0], $0xffff  }
0x27d: {  	v28 =	vld [tilespmem:s30+$0x6400]  }
0x27e: {  	v29 =	vld [tilespmem:s30+$0x6100]  }
0x27f: {  	v30 =	vld [tilespmem:s30+$0x6180]  }
0x280: {  	v32 =	vor.u32 v1, v19;
	v31 =	vld [tilespmem:s30+$0x6200]  }
0x281: {  	v33 =	vld [tilespmem:s30+$0x6280]  }
0x282: {  	v34 =	vor.u32 v1, v14;
	v35 =	vld [tilespmem:s30+$0x6300];
	v25 =	vmul.f32 v28, v25  }
0x283: {  	v28 =	vor.u32 v1, v16;
	v26 =	vmul.f32 v29, v26;
	v29 =	vld [tilespmem:s30+$0x6380]  }
0x284: {  	v22 =	vmul.f32 v30, v22;
	v30 =	vor.u32 v1, v17;
	[tilespmem:s30+$0xE400] =	vst v25;
	v25 =	vld [tilespmem:s30+$0x6480]  }
0x285: {  	[tilespmem:s30+$0xE100] =	vst v26;
	v24 =	vmul.f32 v31, v24;
	v26 =	vor.u32 v1, v18;
	v31 =	vld.idx.msk [tilespmem:v32+s5+$0x0], $0xffff  }
0x286: {  	[tilespmem:s30+$0xE180] =	vst v22;
	v21 =	vmul.f32 v33, v21;
	v22 =	vor.u32 v1, v15;
	v32 =	vld [tilespmem:s30+$0x6410]  }
0x287: {  	v33 =	vor.u32 v1, v13;
	v34 =	vld.idx.msk [tilespmem:v34+s5+$0x0], $0xffff;
	[tilespmem:s30+$0xE200] =	vst v24;
	v23 =	vmul.f32 v35, v23  }
0x288: {  	v24 =	vld.idx.msk [tilespmem:v28+s5+$0x0], $0xffff;
	[tilespmem:s30+$0xE280] =	vst v21;
	v21 =	vmul.f32 v29, v27;
	v27 =	vor.u32 v1, v12  }
0x289: {  	v28 =	vld.idx.msk [tilespmem:v30+s5+$0x0], $0xffff;
	[tilespmem:s30+$0xE300] =	vst v23;
	v23 =	vor.u32 v2, v19;
	v20 =	vmul.f32 v25, v20  }
0x28a: {  	v25 =	vld.idx.msk [tilespmem:v26+s5+$0x0], $0xffff;
	[tilespmem:s30+$0xE380] =	vst v21  }
0x28b: {  	v21 =	vld.idx.msk [tilespmem:v22+s5+$0x0], $0xffff;
	v22 =	vmul.f32 v32, v31;
	[tilespmem:s30+$0xE480] =	vst v20  }
0x28c: {  	v20 =	vld.idx.msk [tilespmem:v33+s5+$0x0], $0xffff  }
0x28d: {  	[tilespmem:s30+$0xE410] =	vst v22;
	v22 =	vld.idx.msk [tilespmem:v27+s5+$0x0], $0xffff  }
0x28e: {  	v23 =	vld.idx.msk [tilespmem:v23+s5+$0x0], $0xffff  }
0x28f: {  	v26 =	vld [tilespmem:s30+$0x6420]  }
0x290: {  	v27 =	vld [tilespmem:s30+$0x6110]  }
0x291: {  	v29 =	vld [tilespmem:s30+$0x6190]  }
0x292: {  	v31 =	vor.u32 v3, v19;
	v30 =	vld [tilespmem:s30+$0x6210]  }
0x293: {  	v32 =	vld [tilespmem:s30+$0x6290]  }
0x294: {  	v33 =	vor.u32 v2, v14;
	v35 =	vld [tilespmem:s30+$0x6310];
	v23 =	vmul.f32 v26, v23  }
0x295: {  	v26 =	vor.u32 v2, v16;
	v20 =	vmul.f32 v27, v20;
	v27 =	vld [tilespmem:s30+$0x6390]  }
0x296: {  	v29 =	vmul.f32 v29, v34;
	v34 =	vor.u32 v2, v17;
	[tilespmem:s30+$0xE420] =	vst v23;
	v23 =	vld [tilespmem:s30+$0x6490]  }
0x297: {  	[tilespmem:s30+$0xE110] =	vst v20;
	v20 =	vmul.f32 v30, v24;
	v24 =	vor.u32 v2, v18;
	v30 =	vld.idx.msk [tilespmem:v31+s5+$0x0], $0xffff  }
0x298: {  	[tilespmem:s30+$0xE190] =	vst v29;
	v28 =	vmul.f32 v32, v28;
	v29 =	vor.u32 v2, v15;
	v31 =	vld [tilespmem:s30+$0x6430]  }
0x299: {  	v32 =	vor.u32 v2, v13;
	v33 =	vld.idx.msk [tilespmem:v33+s5+$0x0], $0xffff;
	[tilespmem:s30+$0xE210] =	vst v20;
	v20 =	vmul.f32 v35, v25  }
0x29a: {  	v25 =	vld.idx.msk [tilespmem:v26+s5+$0x0], $0xffff;
	[tilespmem:s30+$0xE290] =	vst v28;
	v21 =	vmul.f32 v27, v21;
	v26 =	vor.u32 v2, v12  }
0x29b: {  	v27 =	vld.idx.msk [tilespmem:v34+s5+$0x0], $0xffff;
	[tilespmem:s30+$0xE310] =	vst v20;
	v20 =	vor.u32 v4, v19;
	v22 =	vmul.f32 v23, v22  }
0x29c: {  	v23 =	vld.idx.msk [tilespmem:v24+s5+$0x0], $0xffff;
	[tilespmem:s30+$0xE390] =	vst v21  }
0x29d: {  	v21 =	vld.idx.msk [tilespmem:v29+s5+$0x0], $0xffff;
	v24 =	vmul.f32 v31, v30;
	[tilespmem:s30+$0xE490] =	vst v22  }
0x29e: {  	v22 =	vld.idx.msk [tilespmem:v32+s5+$0x0], $0xffff  }
0x29f: {  	[tilespmem:s30+$0xE430] =	vst v24;
	v24 =	vld.idx.msk [tilespmem:v26+s5+$0x0], $0xffff  }
0x2a0: {  	v20 =	vld.idx.msk [tilespmem:v20+s5+$0x0], $0xffff  }
0x2a1: {  	v26 =	vld [tilespmem:s30+$0x6440]  }
0x2a2: {  	v28 =	vld [tilespmem:s30+$0x6120]  }
0x2a3: {  	v29 =	vld [tilespmem:s30+$0x61A0]  }
0x2a4: {  	v31 =	vor.u32 v5, v19;
	v30 =	vld [tilespmem:s30+$0x6220]  }
0x2a5: {  	v32 =	vld [tilespmem:s30+$0x62A0]  }
0x2a6: {  	v34 =	vor.u32 v3, v14;
	v35 =	vld [tilespmem:s30+$0x6320];
	v20 =	vmul.f32 v26, v20  }
0x2a7: {  	v26 =	vor.u32 v3, v16;
	v22 =	vmul.f32 v28, v22;
	v28 =	vld [tilespmem:s30+$0x63A0]  }
0x2a8: {  	v29 =	vmul.f32 v29, v33;
	v33 =	vor.u32 v3, v17;
	[tilespmem:s30+$0xE440] =	vst v20;
	v20 =	vld [tilespmem:s30+$0x64A0]  }
0x2a9: {  	[tilespmem:s30+$0xE120] =	vst v22;
	v22 =	vmul.f32 v30, v25;
	v25 =	vor.u32 v3, v18;
	v30 =	vld.idx.msk [tilespmem:v31+s5+$0x0], $0xffff  }
0x2aa: {  	[tilespmem:s30+$0xE1A0] =	vst v29;
	v27 =	vmul.f32 v32, v27;
	v29 =	vor.u32 v3, v15;
	v31 =	vld [tilespmem:s30+$0x6450]  }
0x2ab: {  	v32 =	vor.u32 v3, v13;
	v34 =	vld.idx.msk [tilespmem:v34+s5+$0x0], $0xffff;
	[tilespmem:s30+$0xE220] =	vst v22;
	v22 =	vmul.f32 v35, v23  }
0x2ac: {  	v23 =	vld.idx.msk [tilespmem:v26+s5+$0x0], $0xffff;
	[tilespmem:s30+$0xE2A0] =	vst v27;
	v21 =	vmul.f32 v28, v21;
	v26 =	vor.u32 v3, v12  }
0x2ad: {  	v27 =	vld.idx.msk [tilespmem:v33+s5+$0x0], $0xffff;
	[tilespmem:s30+$0xE320] =	vst v22;
	v22 =	vor.u32 v6, v19;
	v20 =	vmul.f32 v20, v24  }
0x2ae: {  	v24 =	vld.idx.msk [tilespmem:v25+s5+$0x0], $0xffff;
	[tilespmem:s30+$0xE3A0] =	vst v21  }
0x2af: {  	v21 =	vld.idx.msk [tilespmem:v29+s5+$0x0], $0xffff;
	v25 =	vmul.f32 v31, v30;
	[tilespmem:s30+$0xE4A0] =	vst v20  }
0x2b0: {  	v20 =	vld.idx.msk [tilespmem:v32+s5+$0x0], $0xffff  }
0x2b1: {  	[tilespmem:s30+$0xE450] =	vst v25;
	v25 =	vld.idx.msk [tilespmem:v26+s5+$0x0], $0xffff  }
0x2b2: {  	v22 =	vld.idx.msk [tilespmem:v22+s5+$0x0], $0xffff  }
0x2b3: {  	v26 =	vld [tilespmem:s30+$0x6460]  }
0x2b4: {  	v28 =	vld [tilespmem:s30+$0x6130]  }
0x2b5: {  	v29 =	vld [tilespmem:s30+$0x61B0]  }
0x2b6: {  	v19 =	vor.u32 v7, v19;
	v30 =	vld [tilespmem:s30+$0x6230]  }
0x2b7: {  	v31 =	vld [tilespmem:s30+$0x62B0]  }
0x2b8: {  	v32 =	vor.u32 v4, v14;
	v33 =	vld [tilespmem:s30+$0x6330];
	v22 =	vmul.f32 v26, v22  }
0x2b9: {  	v26 =	vor.u32 v4, v16;
	v20 =	vmul.f32 v28, v20;
	v28 =	vld [tilespmem:s30+$0x63B0]  }
0x2ba: {  	v29 =	vmul.f32 v29, v34;
	v34 =	vor.u32 v4, v17;
	[tilespmem:s30+$0xE460] =	vst v22;
	v22 =	vld [tilespmem:s30+$0x64B0]  }
0x2bb: {  	[tilespmem:s30+$0xE130] =	vst v20;
	v20 =	vmul.f32 v30, v23;
	v23 =	vor.u32 v4, v18;
	v19 =	vld.idx.msk [tilespmem:v19+s5+$0x0], $0xffff  }
0x2bc: {  	[tilespmem:s30+$0xE1B0] =	vst v29;
	v27 =	vmul.f32 v31, v27;
	v29 =	vor.u32 v4, v15;
	v30 =	vld [tilespmem:s30+$0x6470]  }
0x2bd: {  	v31 =	vor.u32 v4, v13;
	v32 =	vld.idx.msk [tilespmem:v32+s5+$0x0], $0xffff;
	[tilespmem:s30+$0xE230] =	vst v20;
	v20 =	vmul.f32 v33, v24  }
0x2be: {  	v24 =	vld.idx.msk [tilespmem:v26+s5+$0x0], $0xffff;
	[tilespmem:s30+$0xE2B0] =	vst v27;
	v21 =	vmul.f32 v28, v21;
	v26 =	vor.u32 v4, v12  }
0x2bf: {  	v27 =	vld.idx.msk [tilespmem:v34+s5+$0x0], $0xffff;
	[tilespmem:s30+$0xE330] =	vst v20;
	v20 =	vmul.f32 v22, v25  }
0x2c0: {  	v22 =	vld.idx.msk [tilespmem:v23+s5+$0x0], $0xffff;
	[tilespmem:s30+$0xE3B0] =	vst v21  }
0x2c1: {  	v21 =	vld.idx.msk [tilespmem:v29+s5+$0x0], $0xffff;
	v19 =	vmul.f32 v30, v19;
	[tilespmem:s30+$0xE4B0] =	vst v20  }
0x2c2: {  	v20 =	vld.idx.msk [tilespmem:v31+s5+$0x0], $0xffff  }
0x2c3: {  	[tilespmem:s30+$0xE470] =	vst v19;
	v19 =	vld.idx.msk [tilespmem:v26+s5+$0x0], $0xffff  }
0x2c4: {  	v23 =	vld [tilespmem:s30+$0x6140]  }
0x2c5: {  	v25 =	vld [tilespmem:s30+$0x61C0]  }
0x2c6: {  	v26 =	vld [tilespmem:s30+$0x6240]  }
0x2c7: {  	v28 =	vor.u32 v5, v13;
	v29 =	vld [tilespmem:s30+$0x62C0]  }
0x2c8: {  	v30 =	vor.u32 v5, v14;
	v31 =	vld [tilespmem:s30+$0x6340]  }
0x2c9: {  	v20 =	vmul.f32 v23, v20;
	v23 =	vor.u32 v5, v16;
	v33 =	vld [tilespmem:s30+$0x63C0]  }
0x2ca: {  	v25 =	vmul.f32 v25, v32;
	v32 =	vor.u32 v5, v17;
	v34 =	vld [tilespmem:s30+$0x64C0]  }
0x2cb: {  	[tilespmem:s30+$0xE140] =	vst v20;
	v20 =	vld [tilespmem:s30+$0x6150];
	v24 =	vmul.f32 v26, v24;
	v26 =	vor.u32 v5, v18  }
0x2cc: {  	v28 =	vld.idx.msk [tilespmem:v28+s5+$0x0], $0xffff;
	[tilespmem:s30+$0xE1C0] =	vst v25;
	v25 =	vmul.f32 v29, v27;
	v27 =	vor.u32 v5, v15  }
0x2cd: {  	v29 =	vld.idx.msk [tilespmem:v30+s5+$0x0], $0xffff;
	[tilespmem:s30+$0xE240] =	vst v24;
	v22 =	vmul.f32 v31, v22;
	v24 =	vor.u32 v5, v12  }
0x2ce: {  	v23 =	vld.idx.msk [tilespmem:v23+s5+$0x0], $0xffff;
	[tilespmem:s30+$0xE2C0] =	vst v25;
	v21 =	vmul.f32 v33, v21  }
0x2cf: {  	v25 =	vld.idx.msk [tilespmem:v32+s5+$0x0], $0xffff;
	[tilespmem:s30+$0xE340] =	vst v22;
	v19 =	vmul.f32 v34, v19  }
0x2d0: {  	v22 =	vld.idx.msk [tilespmem:v26+s5+$0x0], $0xffff;
	[tilespmem:s30+$0xE3C0] =	vst v21  }
0x2d1: {  	v21 =	vld.idx.msk [tilespmem:v27+s5+$0x0], $0xffff;
	[tilespmem:s30+$0xE4C0] =	vst v19  }
0x2d2: {  	v19 =	vmul.f32 v20, v28;
	v20 =	vld.idx.msk [tilespmem:v24+s5+$0x0], $0xffff  }
0x2d3: {  	v24 =	vld [tilespmem:s30+$0x61D0]  }
0x2d4: {  	[tilespmem:s30+$0xE150] =	vst v19;
	v19 =	vor.u32 v6, v13;
	v26 =	vld [tilespmem:s30+$0x6250]  }
0x2d5: {  	v27 =	vld [tilespmem:s30+$0x62D0]  }
0x2d6: {  	v28 =	vor.u32 v6, v14;
	v30 =	vld [tilespmem:s30+$0x6350]  }
0x2d7: {  	v31 =	vor.u32 v6, v16;
	v32 =	vld [tilespmem:s30+$0x63D0]  }
0x2d8: {  	v24 =	vmul.f32 v24, v29;
	v29 =	vor.u32 v6, v17;
	v33 =	vld [tilespmem:s30+$0x64D0]  }
0x2d9: {  	v19 =	vld.idx.msk [tilespmem:v19+s5+$0x0], $0xffff;
	v23 =	vmul.f32 v26, v23;
	v26 =	vor.u32 v6, v18  }
0x2da: {  	v34 =	vld [tilespmem:s30+$0x6160];
	[tilespmem:s30+$0xE1D0] =	vst v24;
	v24 =	vmul.f32 v27, v25;
	v25 =	vor.u32 v6, v15  }
0x2db: {  	v27 =	vld.idx.msk [tilespmem:v28+s5+$0x0], $0xffff;
	[tilespmem:s30+$0xE250] =	vst v23;
	v22 =	vmul.f32 v30, v22;
	v23 =	vor.u32 v6, v12  }
0x2dc: {  	v28 =	vld.idx.msk [tilespmem:v31+s5+$0x0], $0xffff;
	[tilespmem:s30+$0xE2D0] =	vst v24;
	v21 =	vmul.f32 v32, v21  }
0x2dd: {  	v24 =	vld.idx.msk [tilespmem:v29+s5+$0x0], $0xffff;
	[tilespmem:s30+$0xE350] =	vst v22;
	v20 =	vmul.f32 v33, v20  }
0x2de: {  	v22 =	vld.idx.msk [tilespmem:v26+s5+$0x0], $0xffff;
	[tilespmem:s30+$0xE3D0] =	vst v21  }
0x2df: {  	v19 =	vmul.f32 v34, v19;
	v21 =	vld.idx.msk [tilespmem:v25+s5+$0x0], $0xffff;
	[tilespmem:s30+$0xE4D0] =	vst v20  }
0x2e0: {  	v20 =	vld.idx.msk [tilespmem:v23+s5+$0x0], $0xffff  }
0x2e1: {  	[tilespmem:s30+$0xE160] =	vst v19;
	v19 =	vld [tilespmem:s30+$0x61E0]  }
0x2e2: {  	v13 =	vor.u32 v7, v13;
	v23 =	vld [tilespmem:s30+$0x6260]  }
0x2e3: {  	v25 =	vld [tilespmem:s30+$0x62E0]  }
0x2e4: {  	v14 =	vor.u32 v7, v14;
	v26 =	vld [tilespmem:s30+$0x6360]  }
0x2e5: {  	v16 =	vor.u32 v7, v16;
	v29 =	vld [tilespmem:s30+$0x63E0]  }
0x2e6: {  	v17 =	vor.u32 v7, v17;
	v19 =	vmul.f32 v19, v27;
	v27 =	vld [tilespmem:s30+$0x64E0]  }
0x2e7: {  	v18 =	vor.u32 v7, v18;
	v30 =	vld.idx.msk [tilespmem:v13+s5+$0x0], $0xffff;
	v23 =	vmul.f32 v23, v28  }
0x2e8: {  	v28 =	vld [tilespmem:s30+$0x6170];
	[tilespmem:s30+$0xE1E0] =	vst v19;
	v19 =	vmul.f32 v25, v24;
	v24 =	vor.u32 v7, v15  }
0x2e9: {  	v13 =	vld.idx.msk [tilespmem:v14+s5+$0x0], $0xffff;
	[tilespmem:s30+$0xE260] =	vst v23;
	v15 =	vmul.f32 v26, v22;
	v22 =	vor.u32 v7, v12  }
0x2ea: {  	v14 =	vld.idx.msk [tilespmem:v16+s5+$0x0], $0xffff;
	[tilespmem:s30+$0xE2E0] =	vst v19;
	v16 =	vmul.f32 v29, v21  }
.Ltmp3:
0x2eb: {  	v12 =	vld.idx.msk [tilespmem:v17+s5+$0x0], $0xffff;
	[tilespmem:s30+$0xE360] =	vst v15;
	v17 =	vmul.f32 v27, v20;
	(pc) =	sbr.rel @p0 .LBB2_5-.Ltmp3, $4  }
0x2ec: {  	s0 =	sadd.s32 $0x3, s2;
	v15 =	vld.idx.msk [tilespmem:v18+s5+$0x0], $0xffff;
	[tilespmem:s30+$0xE3E0] =	vst v16  }
0x2ed: {  	v18 =	vmov s0;
	s0 =	sadd.s32 $0x4, s2;
	v23 =	vmul.f32 v28, v30;
	v16 =	vld.idx.msk [tilespmem:v24+s5+$0x0], $0xffff;
	[tilespmem:s30+$0xE4E0] =	vst v17  }
0x2ee: {  	v18 =	vand.u32 $0xFFFFFFFB, v18;
	v19 =	vmov s0;
	s0 =	sadd.s32 $0x5, s2;
	v17 =	vld.idx.msk [tilespmem:v22+s5+$0x0], $0xffff  }
0x2ef: {  	v21 =	vbroadcast v18, $0x0;
	v19 =	vand.u32 $0xFFFFFFFC, v19;
	v20 =	vmov s0;
	s0 =	sadd.s32 $0x6, s2;
	s2 =	sadd.s32 $0x8, s2;
	[tilespmem:s30+$0xE170] =	vst v23;
	v18 =	vld [tilespmem:s30+$0x61F0]  }
0x2f0: {  	_ =	sdelay $0x1  }
0x2f1: {  	v53 =	vand.u32 $0xFFFFFFFD, v20;
	v20 =	vld [tilespmem:s30+$0x6270]  }
0x2f2: {  	v22 =	vbroadcast v19, $0x0;
	v19 =	vld [tilespmem:s30+$0x62F0]  }
0x2f3: {  	v26 =	vshll.u32 v8, $0x7;
	v8 =	vld [tilespmem:s30+$0x63F0]  }
0x2f4: {  	s17 =	sadd.s32 $0x1000, s31;
	v25 =	vld.idx.msk [tilespmem:v21+s18+$0x0], $0xffff  }
0x2f5: {  	v21 =	vshll.u32 v10, $0x7;
	v10 =	vld [tilespmem:s30+$0x64F0];
	s2 =	sshra.s32 s17, $0x2  }
0x2f6: {  	v36 =	vld [tilespmem:s2+$0x6400]  }
0x2f7: {  	v37 =	vld [tilespmem:s2+$0x6100]  }
0x2f8: {  	v38 =	vld [tilespmem:s2+$0x6180]  }
0x2f9: {  	v39 =	vld [tilespmem:s2+$0x6200]  }
0x2fa: {  	v41 =	vld [tilespmem:s2+$0x6280]  }
0x2fb: {  	v54 =	vmov s0;
	v43 =	vld [tilespmem:s2+$0x6300]  }
0x2fc: {  	v23 =	vbroadcast v53, $0x0;
	v55 =	vand.u32 $0xFFFFFFFE, v54;
	v44 =	vld [tilespmem:s2+$0x6380]  }
0x2fd: {  	v24 =	vbroadcast v55, $0x0;
	v60 =	vld [tilespmem:s2+$0x6480]  }
0x2fe: {  	v45 =	vld [tilespmem:s2+$0x6410]  }
0x2ff: {  	v28 =	vor.u32 v0, v21;
	v53 =	vld [tilespmem:s2+$0x6420]  }
0x300: {  	v54 =	vld [tilespmem:s2+$0x6110]  }
0x301: {  	v32 =	vor.u32 v0, v26;
	v22 =	vld.idx.msk [tilespmem:v22+s18+$0x0], $0xffff  }
0x302: {  	v25 =	vshll.u32 v25, $0x7;
	v27 =	vld.idx.msk [tilespmem:v23+s18+$0x0], $0xffff  }
0x303: {  	v33 =	vor.u32 v0, v25;
	v29 =	vld.idx.msk [tilespmem:v24+s18+$0x0], $0xffff  }
0x304: {  	v28 =	vld.idx.msk [tilespmem:v28+s5+$0x0], $0xffff;
	v24 =	vshll.u32 v9, $0x7  }
0x305: {  	v55 =	vld [tilespmem:s2+$0x6190];
	v23 =	vshll.u32 v11, $0x7;
	v31 =	vor.u32 v0, v24  }
0x306: {  	v32 =	vld.idx.msk [tilespmem:v32+s5+$0x0], $0xffff;
	v30 =	vor.u32 v0, v23;
	v22 =	vshll.u32 v22, $0x7  }
0x307: {  	v9 =	vld [tilespmem:s30+$0x6370];
	v34 =	vor.u32 v0, v22;
	v11 =	vshll.u32 v27, $0x7  }
0x308: {  	v33 =	vld.idx.msk [tilespmem:v33+s5+$0x0], $0xffff;
	v35 =	vor.u32 v0, v11;
	v27 =	vshll.u32 v29, $0x7  }
0x309: {  	v28 =	vmul.f32 v60, v28;
	v60 =	vld [tilespmem:s2+$0x6310];
	v57 =	vor.u32 v0, v27  }
0x30a: {  	v56 =	vld.idx.msk [tilespmem:v31+s5+$0x0], $0xffff  }
0x30b: {  	v30 =	vld.idx.msk [tilespmem:v30+s5+$0x0], $0xffff  }
0x30c: {  	v59 =	vor.u32 v1, v25;
	v34 =	vld.idx.msk [tilespmem:v34+s5+$0x0], $0xffff  }
0x30d: {  	v48 =	vor.u32 v1, v21;
	v35 =	vld.idx.msk [tilespmem:v35+s5+$0x0], $0xffff  }
0x30e: {  	v46 =	vor.u32 v1, v23;
	v62 =	vmul.f32 v41, v33;
	v31 =	vld.idx.msk [tilespmem:v57+s5+$0x0], $0xffff  }
0x30f: {  	v42 =	vor.u32 v1, v24;
	v29 =	vmul.f32 v38, v56;
	v56 =	vld [tilespmem:s2+$0x6210]  }
0x310: {  	v30 =	vmul.f32 v37, v30;
	[tilespmem:s2+$0xE280] =	vst v62;
	v62 =	vld [tilespmem:s2+$0x6390]  }
0x311: {  	v58 =	vor.u32 v1, v26;
	[tilespmem:s2+$0xE480] =	vst v28;
	v49 =	vld.idx.msk [tilespmem:v59+s5+$0x0], $0xffff  }
0x312: {  	[tilespmem:s2+$0xE100] =	vst v30;
	v30 =	vld.idx.msk [tilespmem:v48+s5+$0x0], $0xffff  }
0x313: {  	v32 =	vmul.f32 v39, v32;
	v61 =	vor.u32 v1, v22;
	[tilespmem:s2+$0xE180] =	vst v29;
	v28 =	vld.idx.msk [tilespmem:v46+s5+$0x0], $0xffff  }
0x314: {  	v63 =	vor.u32 v1, v11;
	v42 =	vld.idx.msk [tilespmem:v42+s5+$0x0], $0xffff;
	v34 =	vmul.f32 v43, v34  }
0x315: {  	[tilespmem:s2+$0xE200] =	vst v32;
	v40 =	vor.u32 v1, v27;
	v47 =	vmul.f32 v44, v35;
	v44 =	vld [tilespmem:s2+$0x6360]  }
0x316: {  	v31 =	vmul.f32 v36, v31;
	v36 =	vld.idx.msk [tilespmem:v58+s5+$0x0], $0xffff;
	[tilespmem:s2+$0xE300] =	vst v34  }
0x317: {  	v58 =	vld [tilespmem:s2+$0x6290];
	[tilespmem:s2+$0xE380] =	vst v47  }
0x318: {  	[tilespmem:s2+$0xE400] =	vst v31;
	v31 =	vld.idx.msk [tilespmem:v61+s5+$0x0], $0xffff  }
0x319: {  	v29 =	vld.idx.msk [tilespmem:v63+s5+$0x0], $0xffff  }
0x31a: {  	v59 =	vor.u32 v2, v24;
	v40 =	vld.idx.msk [tilespmem:v40+s5+$0x0], $0xffff  }
0x31b: {  	v35 =	vmul.f32 v55, v42;
	v55 =	vld [tilespmem:s2+$0x6440]  }
0x31c: {  	v47 =	vmul.f32 v58, v49;
	v49 =	vld [tilespmem:s2+$0x6430]  }
0x31d: {  	v48 =	vor.u32 v2, v11;
	v36 =	vmul.f32 v56, v36;
	v56 =	vld [tilespmem:s2+$0x6120]  }
0x31e: {  	[tilespmem:s2+$0xE190] =	vst v35;
	v58 =	vld [tilespmem:s2+$0x6220]  }
0x31f: {  	v50 =	vor.u32 v2, v27;
	v41 =	vld.idx.msk [tilespmem:v59+s5+$0x0], $0xffff;
	v29 =	vmul.f32 v62, v29  }
0x320: {  	v28 =	vmul.f32 v54, v28;
	v31 =	vmul.f32 v60, v31;
	v60 =	vld [tilespmem:s2+$0x62A0]  }
0x321: {  	v51 =	vmul.f32 v45, v40;
	v45 =	vld [tilespmem:s2+$0x6490];
	[tilespmem:s2+$0xE390] =	vst v29  }
0x322: {  	v61 =	vor.u32 v2, v26;
	[tilespmem:s2+$0xE110] =	vst v28;
	v28 =	vld.idx.msk [tilespmem:v48+s5+$0x0], $0xffff  }
0x323: {  	[tilespmem:s2+$0xE410] =	vst v51;
	v48 =	vld [tilespmem:s2+$0x63A0]  }
0x324: {  	v63 =	vor.u32 v2, v25;
	v52 =	vld.idx.msk [tilespmem:v50+s5+$0x0], $0xffff  }
0x325: {  	[tilespmem:s2+$0xE210] =	vst v36;
	v62 =	vld [tilespmem:s2+$0x6320];
	v50 =	vor.u32 v2, v23  }
0x326: {  	[tilespmem:s2+$0xE290] =	vst v47;
	v47 =	vld [tilespmem:s2+$0x62D0];
	v51 =	vor.u32 v2, v21  }
0x327: {  	v33 =	vld.idx.msk [tilespmem:v61+s5+$0x0], $0xffff  }
0x328: {  	v46 =	vor.u32 v2, v22;
	v30 =	vmul.f32 v45, v30;
	v28 =	vmul.f32 v48, v28;
	v48 =	vld [tilespmem:s2+$0x62B0]  }
0x329: {  	v32 =	vmul.f32 v53, v52;
	v52 =	vld.idx.msk [tilespmem:v63+s5+$0x0], $0xffff  }
0x32a: {  	v57 =	vor.u32 v3, v27;
	[tilespmem:s2+$0xE490] =	vst v30;
	v30 =	vld.idx.msk [tilespmem:v50+s5+$0x0], $0xffff  }
0x32b: {  	v29 =	vld.idx.msk [tilespmem:v51+s5+$0x0], $0xffff  }
0x32c: {  	[tilespmem:s2+$0xE310] =	vst v31;
	v63 =	vor.u32 v3, v26;
	v50 =	vld [tilespmem:s2+$0x64A0]  }
0x32d: {  	[tilespmem:s2+$0xE420] =	vst v32;
	v32 =	vld.idx.msk [tilespmem:v46+s5+$0x0], $0xffff  }
0x32e: {  	v33 =	vmul.f32 v58, v33;
	v46 =	vld [tilespmem:s2+$0x6250]  }
0x32f: {  	v39 =	vld.idx.msk [tilespmem:v57+s5+$0x0], $0xffff  }
0x330: {  	[tilespmem:s2+$0xE220] =	vst v33;
	v57 =	vld [tilespmem:s2+$0x61A0]  }
0x331: {  	v34 =	vmul.f32 v60, v52;
	v52 =	vor.u32 v3, v11;
	v35 =	vld.idx.msk [tilespmem:v63+s5+$0x0], $0xffff  }
0x332: {  	v60 =	vld [tilespmem:s2+$0x6460]  }
0x333: {  	v63 =	vld [tilespmem:s2+$0x6230]  }
0x334: {  	v53 =	vor.u32 v4, v27;
	v30 =	vmul.f32 v56, v30;
	v29 =	vmul.f32 v50, v29;
	v50 =	vld [tilespmem:s2+$0x6330]  }
0x335: {  	[tilespmem:s2+$0xE3A0] =	vst v28;
	v32 =	vmul.f32 v62, v32;
	v62 =	vld [tilespmem:s2+$0x61B0]  }
0x336: {  	v61 =	vor.u32 v3, v24;
	[tilespmem:s2+$0xE120] =	vst v30;
	v54 =	vmul.f32 v49, v39;
	v30 =	vld.idx.msk [tilespmem:v52+s5+$0x0], $0xffff  }
0x337: {  	v52 =	vld [tilespmem:s2+$0x63B0]  }
0x338: {  	v37 =	vmul.f32 v57, v41;
	v49 =	vor.u32 v3, v25;
	[tilespmem:s2+$0xE430] =	vst v54;
	v35 =	vmul.f32 v63, v35;
	v63 =	vld [tilespmem:s2+$0x6240]  }
0x339: {  	v54 =	vor.u32 v3, v23;
	v31 =	vld.idx.msk [tilespmem:v53+s5+$0x0], $0xffff  }
0x33a: {  	[tilespmem:s2+$0xE1A0] =	vst v37;
	v53 =	vld [tilespmem:s2+$0x6450]  }
0x33b: {  	v42 =	vld.idx.msk [tilespmem:v61+s5+$0x0], $0xffff  }
0x33c: {  	v51 =	vor.u32 v3, v22;
	[tilespmem:s2+$0xE2A0] =	vst v34;
	v61 =	vld [tilespmem:s2+$0x6130]  }
0x33d: {  	v59 =	vor.u32 v5, v27;
	v56 =	vld.idx.msk [tilespmem:v49+s5+$0x0], $0xffff  }
0x33e: {  	[tilespmem:s2+$0xE4A0] =	vst v29;
	v49 =	vor.u32 v4, v24;
	v29 =	vld.idx.msk [tilespmem:v54+s5+$0x0], $0xffff  }
0x33f: {  	v54 =	vld [tilespmem:s2+$0x64B0];
	v31 =	vmul.f32 v55, v31  }
0x340: {  	[tilespmem:s2+$0xE320] =	vst v32;
	v37 =	vmul.f32 v62, v42;
	v62 =	vld [tilespmem:s2+$0x61C0]  }
0x341: {  	v55 =	vor.u32 v3, v21;
	[tilespmem:s2+$0xE440] =	vst v31;
	v31 =	vld.idx.msk [tilespmem:v51+s5+$0x0], $0xffff  }
0x342: {  	v51 =	vor.u32 v4, v26;
	[tilespmem:s2+$0xE1B0] =	vst v37;
	v39 =	vld.idx.msk [tilespmem:v59+s5+$0x0], $0xffff  }
0x343: {  	v36 =	vmul.f32 v48, v56;
	v56 =	vor.u32 v4, v11;
	v40 =	vld.idx.msk [tilespmem:v49+s5+$0x0], $0xffff  }
0x344: {  	v49 =	vld [tilespmem:s2+$0x62C0]  }
0x345: {  	v30 =	vmul.f32 v52, v30;
	v29 =	vmul.f32 v61, v29;
	v61 =	vld [tilespmem:s2+$0x6140]  }
0x346: {  	[tilespmem:s2+$0xE230] =	vst v35;
	v59 =	vld.idx.msk [tilespmem:v55+s5+$0x0], $0xffff;
	v55 =	vor.u32 v4, v22  }
0x347: {  	[tilespmem:s2+$0xE3B0] =	vst v30;
	v32 =	vld.idx.msk [tilespmem:v51+s5+$0x0], $0xffff  }
0x348: {  	v57 =	vor.u32 v6, v27;
	[tilespmem:s2+$0xE130] =	vst v29;
	v31 =	vmul.f32 v50, v31;
	v29 =	vld.idx.msk [tilespmem:v56+s5+$0x0], $0xffff  }
0x349: {  	v51 =	vld [tilespmem:s2+$0x6340]  }
0x34a: {  	v56 =	vld [tilespmem:s2+$0x6150];
	v58 =	vmul.f32 v53, v39;
	v53 =	vor.u32 v4, v25;
	[tilespmem:s2+$0xE330] =	vst v31  }
0x34b: {  	v33 =	vld.idx.msk [tilespmem:v55+s5+$0x0], $0xffff  }
0x34c: {  	[tilespmem:s2+$0xE450] =	vst v58;
	v58 =	vor.u32 v4, v21;
	v55 =	vld [tilespmem:s2+$0x64C0]  }
0x34d: {  	v28 =	vld.idx.msk [tilespmem:v57+s5+$0x0], $0xffff;
	v57 =	vor.u32 v4, v23  }
0x34e: {  	v52 =	vor.u32 v5, v26;
	[tilespmem:s2+$0xE2B0] =	vst v36;
	v59 =	vmul.f32 v54, v59;
	v32 =	vmul.f32 v63, v32;
	v63 =	vld [tilespmem:s2+$0x61D0]  }
0x34f: {  	v34 =	vld.idx.msk [tilespmem:v53+s5+$0x0], $0xffff  }
0x350: {  	[tilespmem:s2+$0xE4B0] =	vst v59;
	v53 =	vld [tilespmem:s2+$0x63C0]  }
0x351: {  	v27 =	vor.u32 v7, v27;
	v31 =	vld.idx.msk [tilespmem:v58+s5+$0x0], $0xffff  }
0x352: {  	v50 =	vor.u32 v5, v24;
	[tilespmem:s2+$0xE240] =	vst v32;
	v28 =	vmul.f32 v60, v28;
	v60 =	vld.idx.msk [tilespmem:v57+s5+$0x0], $0xffff  }
0x353: {  	v54 =	vor.u32 v5, v25;
	v35 =	vld.idx.msk [tilespmem:v52+s5+$0x0], $0xffff  }
0x354: {  	v36 =	vmul.f32 v62, v40;
	v59 =	vor.u32 v5, v11;
	[tilespmem:s2+$0xE460] =	vst v28;
	v28 =	vld [tilespmem:s2+$0x6470]  }
0x355: {  	v34 =	vmul.f32 v49, v34;
	v49 =	vld [tilespmem:s2+$0x6350]  }
0x356: {  	[tilespmem:s2+$0xE1C0] =	vst v36;
	v29 =	vmul.f32 v53, v29;
	v27 =	vld.idx.msk [tilespmem:v27+s5+$0x0], $0xffff  }
0x357: {  	v62 =	vor.u32 v5, v21;
	[tilespmem:s2+$0xE2C0] =	vst v34;
	v30 =	vmul.f32 v61, v60;
	v60 =	vld.idx.msk [tilespmem:v50+s5+$0x0], $0xffff  }
0x358: {  	[tilespmem:s2+$0xE3C0] =	vst v29;
	v34 =	vld.idx.msk [tilespmem:v54+s5+$0x0], $0xffff  }
0x359: {  	v31 =	vmul.f32 v55, v31;
	v29 =	vld.idx.msk [tilespmem:v59+s5+$0x0], $0xffff  }
0x35a: {  	v48 =	vor.u32 v5, v23;
	v61 =	vmul.f32 v51, v33;
	v51 =	vld [tilespmem:s2+$0x63D0]  }
0x35b: {  	v57 =	vor.u32 v5, v22;
	v54 =	vld [tilespmem:s2+$0x64D0];
	[tilespmem:s2+$0xE4C0] =	vst v31  }
0x35c: {  	v50 =	vor.u32 v6, v26;
	v31 =	vld.idx.msk [tilespmem:v62+s5+$0x0], $0xffff  }
0x35d: {  	[tilespmem:s2+$0xE340] =	vst v61;
	v61 =	vld [tilespmem:s2+$0x61E0]  }
0x35e: {  	v35 =	vmul.f32 v46, v35;
	[tilespmem:s2+$0xE140] =	vst v30;
	v62 =	vld [tilespmem:s2+$0x6260]  }
0x35f: {  	v58 =	vld.idx.msk [tilespmem:v48+s5+$0x0], $0xffff  }
0x360: {  	[tilespmem:s2+$0xE250] =	vst v35;
	v32 =	vld.idx.msk [tilespmem:v57+s5+$0x0], $0xffff  }
0x361: {  	v48 =	vor.u32 v6, v24;
	v52 =	vmul.f32 v63, v60;
	v60 =	vld.idx.msk [tilespmem:v50+s5+$0x0], $0xffff  }
0x362: {  	v53 =	vor.u32 v6, v25;
	v63 =	vld [tilespmem:s2+$0x62E0]  }
0x363: {  	v57 =	vor.u32 v6, v11;
	v34 =	vmul.f32 v47, v34;
	v47 =	vld [tilespmem:s2+$0x64E0]  }
0x364: {  	v31 =	vmul.f32 v54, v31;
	v54 =	vld [tilespmem:s2+$0x6270]  }
0x365: {  	v29 =	vmul.f32 v51, v29;
	[tilespmem:s2+$0xE1D0] =	vst v52;
	v30 =	vmul.f32 v56, v58;
	v56 =	vld [tilespmem:s2+$0x6160]  }
0x366: {  	[tilespmem:s2+$0xE2D0] =	vst v34;
	v58 =	vld.idx.msk [tilespmem:v48+s5+$0x0], $0xffff  }
0x367: {  	v13 =	vmul.f32 v18, v13;
	v59 =	vor.u32 v6, v21;
	[tilespmem:s2+$0xE3D0] =	vst v29;
	v33 =	vld.idx.msk [tilespmem:v53+s5+$0x0], $0xffff  }
0x368: {  	v14 =	vmul.f32 v20, v14;
	v29 =	vld.idx.msk [tilespmem:v57+s5+$0x0], $0xffff  }
0x369: {  	[tilespmem:s30+$0xE1F0] =	vst v13;
	v32 =	vmul.f32 v49, v32;
	v49 =	vld [tilespmem:s2+$0x6170]  }
0x36a: {  	v12 =	vmul.f32 v19, v12;
	[tilespmem:s30+$0xE270] =	vst v14;
	v45 =	vor.u32 v6, v23;
	v53 =	vld [tilespmem:s2+$0x61F0]  }
0x36b: {  	v8 =	vmul.f32 v8, v16;
	v55 =	vor.u32 v6, v22;
	v57 =	vld [tilespmem:s2+$0x6370];
	[tilespmem:s2+$0xE4D0] =	vst v31  }
0x36c: {  	[tilespmem:s30+$0xE2F0] =	vst v12;
	v31 =	vld.idx.msk [tilespmem:v59+s5+$0x0], $0xffff  }
0x36d: {  	[tilespmem:s30+$0xE3F0] =	vst v8;
	v26 =	vor.u32 v7, v26;
	v59 =	vld [tilespmem:s2+$0x63F0]  }
0x36e: {  	v9 =	vmul.f32 v9, v15;
	v24 =	vor.u32 v7, v24;
	[tilespmem:s2+$0xE150] =	vst v30;
	v34 =	vmul.f32 v62, v60;
	v60 =	vld [tilespmem:s2+$0x64F0]  }
0x36f: {  	v25 =	vor.u32 v7, v25;
	[tilespmem:s2+$0xE350] =	vst v32;
	v37 =	vld.idx.msk [tilespmem:v45+s5+$0x0], $0xffff  }
0x370: {  	[tilespmem:s30+$0xE370] =	vst v9;
	v32 =	vld.idx.msk [tilespmem:v55+s5+$0x0], $0xffff;
	v46 =	vmul.f32 v61, v58  }
0x371: {  	v21 =	vor.u32 v7, v21;
	v45 =	vld [tilespmem:s2+$0x63E0];
	[tilespmem:s2+$0xE260] =	vst v34;
	v48 =	vmul.f32 v63, v33  }
0x372: {  	v23 =	vor.u32 v7, v23;
	v8 =	vmul.f32 v28, v27;
	v26 =	vld.idx.msk [tilespmem:v26+s5+$0x0], $0xffff;
	[tilespmem:s2+$0xE1E0] =	vst v46  }
0x373: {  	v22 =	vor.u32 v7, v22;
	[tilespmem:s2+$0xE2E0] =	vst v48;
	v50 =	vmul.f32 v47, v31;
	v24 =	vld.idx.msk [tilespmem:v24+s5+$0x0], $0xffff  }
0x374: {  	v11 =	vor.u32 v7, v11;
	[tilespmem:s2+$0xE470] =	vst v8;
	v30 =	vmul.f32 v56, v37;
	v25 =	vld.idx.msk [tilespmem:v25+s5+$0x0], $0xffff  }
0x375: {  	v32 =	vmul.f32 v44, v32;
	v56 =	vld [tilespmem:s2+$0x62F0];
	[tilespmem:s2+$0xE4E0] =	vst v50  }
0x376: {  	v29 =	vmul.f32 v45, v29;
	[tilespmem:s2+$0xE160] =	vst v30;
	v52 =	vld.idx.msk [tilespmem:v21+s5+$0x0], $0xffff  }
0x377: {  	v55 =	vmul.f32 v10, v17;
	[tilespmem:s2+$0xE360] =	vst v32;
	v23 =	vld.idx.msk [tilespmem:v23+s5+$0x0], $0xffff  }
0x378: {  	[tilespmem:s2+$0xE3E0] =	vst v29;
	v51 =	vld.idx.msk [tilespmem:v22+s5+$0x0], $0xffff;
	v8 =	vmul.f32 v53, v24  }
0x379: {  	[tilespmem:s30+$0xE4F0] =	vst v55;
	v61 =	vmul.f32 v54, v26;
	v11 =	vld.idx.msk [tilespmem:v11+s5+$0x0], $0xffff  }
0x37a: {  	[tilespmem:s2+$0xE1F0] =	vst v8;
	v8 =	vmul.f32 v56, v25  }
0x37b: {  	[tilespmem:s2+$0xE270] =	vst v61;
	v63 =	vmul.f32 v60, v52  }
0x37c: {  	v58 =	vmul.f32 v49, v23;
	[tilespmem:s2+$0xE2F0] =	vst v8  }
.Ltmp4:
0x37d: {  	v62 =	vmul.f32 v57, v51;
	[tilespmem:s2+$0xE4F0] =	vst v63;
	(pc) =	sbr.rel @p1 .LBB2_8-.Ltmp4, $4  }
0x37e: {  	v8 =	vmul.f32 v59, v11;
	[tilespmem:s2+$0xE170] =	vst v58  }
0x37f: {  	s31 =	sshll.u32 s28, $0xC;
	[tilespmem:s2+$0xE370] =	vst v62  }
0x380: {  	s0 =	sadd.s32 s14, s31;
	[tilespmem:s2+$0xE3F0] =	vst v8  }
0x381: {  	[hbm4b:s0+s5] =	stream.linear.scatter [tilespmem:s23], [sflag:$0x4], $0x4000, $0x38;
	[tilespmem:$0x12100] =	vst v63  }
0x382: {  	s0 =	sadd.s32 $0x180, s29  }
0x383: {  	s2 =	sadd.s32 s6, s0  }
0x384: {  	s0 =	sand.u32 $0x380, s0;
	s3 =	sand.u32 $0x1FFC00, s2  }
0x385: {  	s0 =	sor.u32 s0, s3  }
.Ltmp5:
0x386: {  	s0 =	sshrl.u32 s0, $0x3;
	(pc) =	sbr.rel .LBB2_2-.Ltmp5, $4  }
0x387: {  	s31 =	sshll.u32 s2, $0x4;
	s0 =	sadd.s32 s7, s0  }
0x388: {  	[tilespmem:s18], [sflag:$0x2] =	stream.linear.gather [hbm4b:s0+s5], $0x80, $0x38;
	[tilespmem:$0x12100] =	vst v63  }
0x389: {  	s28 =	sadd.s32 $0x1, s28;
	s0 =	sadd.s32 s1, s31  }
0x38a: {  	[tilespmem:s19], [sflag:$0x2] =	stream.linear.gather [hbm4b:s0+s5], $0x4000, $0x38;
	[tilespmem:$0x12100] =	vst v63  }
.LBB2_9:
0x38b: {  	_ =	sfence.sel $0x180000  }
0x38c: {  	[bflag:$0x0] =	sbarrier.arrive $0xFFFF  }
0x38d: {  	_ =	strace $0x90000047  }
0x38e: {  	s0 =	stileid.u32;
	[bflag:$0x2] =	sbarrier.arrive $0xFFFF  }
0x38f: {  	p0 =	sne.s32 s0, $0x0;
	s0 =	rddreg [dreg:$0x4]  }
0x390: {  	s0 =	sadd.s32 @!p0 $0x100000, s0  }
0x391: {  	[sflag:s0] =	ssyncadd.tile.s32 @!p0 $0x1;
	_ =	shalt  }
.Lfunc_end2:
_tile_overlayer_lowered:
.L_overlay_start_2:
0x392: {  	(tag) =	ssettag $0x2  }
0x393: {  	s0 =	rddreg [dreg:$0x0];
	s2 =	stileid.u32  }
0x394: {  	s1 =	rddreg [dreg:$0x1];
	p0 =	sne.s32 s2, $0x0  }
0x395: {  	s3 =	rddreg [dreg:$0x2];
	[bflag:$0x3] =	sbarrier.arrive $0xFFFF;
	s2 =	simm.s32 @!p0 $0x1C05  }
0x396: {  	[timem:s3], [sflag:s2] =	dma.local @!p0 [hbm:s0], s1  }
0x397: {  	s0 =	simm.s32 @!p0 $0x5  }
0x398: {  	_ =	swait.ge @!p0 [sflag:s0], s1  }
0x399: {  	s1 =	ssub.s32 @!p0 $0x0, s1;
	[sflag:s0] =	ssyncset.done @!p0 $0x0  }
0x39a: {  	[sflag:s0] =	ssyncadd.s32 @!p0 s1  }
0x39b: {  	[bflag:$0x3] =	sbarrier.arrive $0xFFFF  }
0x39c: {  	_ =	shalt  }

</sc_bundles>
